<compile_context>
chip_gen: v7x
topology: tpu7x:2x2x1
jax: 0.10.2.dev20260603
libtpu: 0.0.44.dev20260713+nightly
codegen_flags: <defaults>
</compile_context>

<pallas_src>
import functools

import jax
import jax.numpy as jnp
import numpy as np
from jax import lax
from jax.experimental import pallas as pl
from jax.experimental.pallas import tpu as pltpu
from jax.experimental.pallas import tpu_sc as plsc

N_ROWS = 32768
N_PROTOS = 1024
DIM = 64
BLOCK = 2048

_NC, _NS = 2, 16
_NW = _NC * _NS
_BPW = N_ROWS // _NW
_CH = 128
_NCH = _BPW // _CH


def _row_sumsq(x):
    y = x * x
    p = y[:, 0:8]
    for r in range(1, 8):
        p = p + y[:, 8 * r:8 * r + 8]
    q0 = (p[:, 0:1] + p[:, 4:5]) + (p[:, 2:3] + p[:, 6:7])
    q1 = (p[:, 1:2] + p[:, 5:6]) + (p[:, 3:4] + p[:, 7:8])
    return q0 + q1


def _argmin_body(l_ref, p_ref, idx_ref, loss_ref):
    l = l_ref[...]
    p = p_ref[...]

    a = _row_sumsq(l)
    b = _row_sumsq(p)[:, 0]
    m = lax.dot_general(l, p, (((1,), (1,)), ((), ())),
                        preferred_element_type=jnp.float32)
    dists = (a + b[None, :]) - 2.0 * m

    minv = jnp.min(dists, axis=1, keepdims=True)
    ii = lax.broadcasted_iota(jnp.int32, dists.shape, 1)
    idx_ref[...] = jnp.min(jnp.where(dists == minv, ii, N_PROTOS), axis=1,
                           keepdims=True)

    part = jnp.sum(minv)

    @pl.when(pl.program_id(0) == 0)
    def _init():
        loss_ref[0, 0] = part

    @pl.when(pl.program_id(0) != 0)
    def _acc():
        loss_ref[0, 0] += part


@functools.lru_cache(maxsize=1)
def _make_sc_gather():
    mesh = plsc.VectorSubcoreMesh(core_axis_name="c", subcore_axis_name="s")

    @functools.partial(
        pl.kernel,
        mesh=mesh,
        compiler_params=pltpu.CompilerParams(use_tc_tiling_on_sc=False),
        out_type=jax.ShapeDtypeStruct((N_ROWS, DIM), jnp.float32),
        scratch_types=[
            pltpu.VMEM((_NCH, _CH), jnp.int32),
            pltpu.VMEM((_CH, DIM), jnp.float32),
            pltpu.SemaphoreType.DMA,
        ],
    )
    def _sc_gather(table_hbm, idx_hbm, out_hbm, idx_v, rows_v, sem):
        wid = lax.axis_index("s") * _NC + lax.axis_index("c")
        pltpu.sync_copy(idx_hbm.at[pl.ds(wid * _NCH, _NCH)], idx_v)
        base = wid * _BPW
        for j in range(_NCH):
            pltpu.async_copy(table_hbm.at[idx_v.at[j]], rows_v, sem).wait()
            pltpu.sync_copy(rows_v, out_hbm.at[pl.ds(base + j * _CH, _CH)])

    return _sc_gather


def kernel(latents, prototypes):
    pb = prototypes.astype(jnp.bfloat16).astype(jnp.float32)
    grid = N_ROWS // BLOCK
    idx2d, loss_acc = pl.pallas_call(
        _argmin_body,
        grid=(grid,),
        in_specs=[
            pl.BlockSpec((BLOCK, DIM), lambda i: (i, 0)),
            pl.BlockSpec((N_PROTOS, DIM), lambda i: (0, 0)),
        ],
        out_specs=[
            pl.BlockSpec((BLOCK, 1), lambda i: (i, 0)),
            pl.BlockSpec(memory_space=pltpu.SMEM, block_shape=(1, 1),
                         index_map=lambda i: (0, 0)),
        ],
        out_shape=[
            jax.ShapeDtypeStruct((N_ROWS, 1), jnp.int32),
            jax.ShapeDtypeStruct((1, 1), jnp.float32),
        ],
    )(latents, prototypes)
    idx = idx2d.reshape(N_ROWS // _CH, _CH)
    out = _make_sc_gather()(pb, idx)
    c = jnp.float32(np.float32(0.25 / 2097152.0) + np.float32(1.0 / 2097152.0))
    vq_loss = c * loss_acc[0, 0]
    return (out, vq_loss)

# --- scband reference (transcript-rebuilt; emitter-appended) ---
"""Pipeline reference for scband-vqlayer-77438260347295 (READ-ONLY COPY).

The authoritative reference and input builder live on the scoring server;
editing this copy changes nothing except your own understanding.
"""

import jax, jax.numpy as jnp
import numpy as np

NUM_PROTOS = 1024
LATENT_DIM = 64
BETA = 0.25


def setup_inputs(seed: int = 0) -> dict:
    key = jax.random.key(seed)
    k1, k2 = jax.random.split(key)
    latents = jax.random.normal(k1, (32768, LATENT_DIM), dtype=jnp.float32)
    prototypes = jax.random.uniform(
        k2, (NUM_PROTOS, LATENT_DIM), dtype=jnp.float32,
        minval=-1.0 / NUM_PROTOS, maxval=1.0 / NUM_PROTOS)
    return {"latents": latents, "prototypes": prototypes}


def reference(latents, prototypes):
    # squared euclidean distances to all prototypes
    dists_to_protos = (jnp.sum(latents ** 2, axis=1, keepdims=True)
                       + jnp.sum(prototypes ** 2, axis=1)
                       - 2.0 * jnp.matmul(latents, prototypes.T))
    closest_protos = jnp.argmin(dists_to_protos, axis=1)
    n = latents.shape[0]
    encoding_one_hot = jnp.zeros((n, prototypes.shape[0]), dtype=latents.dtype)
    encoding_one_hot = encoding_one_hot.at[jnp.arange(n), closest_protos].set(1.0)
    quantized_latents = jnp.matmul(encoding_one_hot, prototypes)
    # mus is None path
    commitment_loss = jnp.mean((jax.lax.stop_gradient(quantized_latents) - latents) ** 2)
    embedding_loss = jnp.mean((quantized_latents - jax.lax.stop_gradient(latents)) ** 2)
    vq_loss = 1.0 * (commitment_loss * BETA + 1.0 * embedding_loss)
    # logvar is None path: ent = 0, entropy_weight * 0 contributes nothing
    quantized_latents = latents + jax.lax.stop_gradient(quantized_latents - latents)
    return (quantized_latents, vq_loss)

if __name__ == "__main__":
    import jax
    _d = setup_inputs()
    print(jax.jit(kernel)(*tuple(_d.values())))

</pallas_src>

<mosaic_0001>
#map = affine_map<(d0, d1) -> (0, 0)>
module attributes {stable_mosaic.version = 14 : i64} {
  func.func @_sc_gather(%arg0: i32, %arg1: i32, %arg2: memref<1024x64xf32, #tpu.memory_space<hbm>>, %arg3: memref<256x128xi32, #tpu.memory_space<hbm>>, %arg4: memref<32768x64xf32, #tpu.memory_space<hbm>>, %arg5: memref<8x128xi32, #tpu.memory_space<vmem>>, %arg6: memref<128x64xf32, #tpu.memory_space<vmem>>, %arg7: memref<!tpu.dma_semaphore, #tpu.memory_space<semaphore_mem>>) attributes {dimension_semantics = [#tpu.dimension_semantics<core_parallel>, #tpu.dimension_semantics<subcore_parallel>], iteration_bounds = array<i64: 2, 16>, scalar_prefetch = 0 : i64, scratch_operands = 3 : i64, tpu.core_type = #tpu.core_type<sc_vector_subcore>, window_params = [{transform_indices = #map}, {transform_indices = #map}, {transform_indices = #map}]} {
    %mul3A = arith.constant 2 : i32
    %mul3A_0 = arith.muli %arg1, %mul3A : i32
    %add3A = arith.addi %mul3A_0, %arg0 : i32
    %mul3A_1 = arith.constant 8 : i32
    %mul3A_2 = arith.muli %add3A, %mul3A_1 : i32
    "tpu.region"() ({
      %run_scoped3A = tpu.sem_alloc : memref<!tpu.dma_semaphore, #tpu.memory_space<semaphore_mem>>
      %dma_start3A_131 = arith.constant 0 : i32
      %dma_start3A_132 = tpu.memref_slice %arg3[%mul3A_2, %dma_start3A_131] : memref<256x128xi32, #tpu.memory_space<hbm>> -> memref<8x128xi32, #tpu.memory_space<hbm>>
      %dma_start3A_133 = arith.constant 0 : i32
      %dma_start3A_134 = tpu.memref_slice %arg3[%mul3A_2, %dma_start3A_133] : memref<256x128xi32, #tpu.memory_space<hbm>> -> memref<8x128xi32, #tpu.memory_space<hbm>>
      tpu.enqueue_dma source(%dma_start3A_134 : memref<8x128xi32, #tpu.memory_space<hbm>>) target(%arg5 : memref<8x128xi32, #tpu.memory_space<vmem>>) target_semaphore(%run_scoped3A : memref<!tpu.dma_semaphore, #tpu.memory_space<semaphore_mem>>)
      %dma_wait3A_135 = arith.constant 0 : i32
      %dma_wait3A_136 = tpu.memref_slice %arg3[%mul3A_2, %dma_wait3A_135] : memref<256x128xi32, #tpu.memory_space<hbm>> -> memref<8x128xi32, #tpu.memory_space<hbm>>
      %dma_wait3A_137 = arith.constant 0 : i32
      %dma_wait3A_138 = tpu.memref_slice %arg3[%mul3A_2, %dma_wait3A_137] : memref<256x128xi32, #tpu.memory_space<hbm>> -> memref<8x128xi32, #tpu.memory_space<hbm>>
      tpu.wait_dma2 semaphore(%run_scoped3A : memref<!tpu.dma_semaphore, #tpu.memory_space<semaphore_mem>>) src(%dma_wait3A_138 : memref<8x128xi32, #tpu.memory_space<hbm>>) dst(%arg5 : memref<8x128xi32, #tpu.memory_space<vmem>>)
      tpu.yield
    }) : () -> ()
    %mul3A_3 = arith.constant 1024 : i32
    %mul3A_4 = arith.muli %add3A, %mul3A_3 : i32
    %dma_start3A = arith.constant 0 : i32
    %dma_start3A_5 = arith.constant 0 : i32
    %dma_start3A_6 = tpu.memref_slice %arg5[%dma_start3A, %dma_start3A_5] : memref<8x128xi32, #tpu.memory_space<vmem>> -> memref<1x128xi32, #tpu.memory_space<vmem>>
    %dma_start3A_7 = tpu.memref_squeeze %dma_start3A_6 : memref<1x128xi32, #tpu.memory_space<vmem>> -> memref<128xi32, #tpu.memory_space<vmem>>
    %dma_start3A_8 = arith.constant 0 : i32
    %dma_start3A_9 = arith.constant 0 : i32
    %dma_start3A_10 = tpu.memref_slice %arg2[%dma_start3A_8, %dma_start3A_9] : memref<1024x64xf32, #tpu.memory_space<hbm>> -> memref<1024x64xf32, #tpu.memory_space<hbm>>
    tpu.enqueue_indirect_dma source(%dma_start3A_10 : memref<1024x64xf32, #tpu.memory_space<hbm>>) target(%arg6 : memref<128x64xf32, #tpu.memory_space<vmem>>) offsets(%dma_start3A_7 : memref<128xi32, #tpu.memory_space<vmem>>) semaphore(%arg7 : memref<!tpu.dma_semaphore, #tpu.memory_space<semaphore_mem>>)
    %dma_wait3A = arith.constant 0 : i32
    %dma_wait3A_11 = arith.constant 0 : i32
    %dma_wait3A_12 = tpu.memref_slice %arg5[%dma_wait3A, %dma_wait3A_11] : memref<8x128xi32, #tpu.memory_space<vmem>> -> memref<1x128xi32, #tpu.memory_space<vmem>>
    %dma_wait3A_13 = tpu.memref_squeeze %dma_wait3A_12 : memref<1x128xi32, #tpu.memory_space<vmem>> -> memref<128xi32, #tpu.memory_space<vmem>>
    %dma_wait3A_14 = arith.constant 0 : i32
    %dma_wait3A_15 = arith.constant 0 : i32
    %dma_wait3A_16 = tpu.memref_slice %arg2[%dma_wait3A_14, %dma_wait3A_15] : memref<1024x64xf32, #tpu.memory_space<hbm>> -> memref<1024x64xf32, #tpu.memory_space<hbm>>
    tpu.wait_indirect_dma semaphore(%arg7 : memref<!tpu.dma_semaphore, #tpu.memory_space<semaphore_mem>>) src(%dma_wait3A_16 : memref<1024x64xf32, #tpu.memory_space<hbm>>) dst(%arg6 : memref<128x64xf32, #tpu.memory_space<vmem>>)
    %add3A_17 = arith.constant 0 : i32
    %add3A_18 = arith.addi %mul3A_4, %add3A_17 : i32
    "tpu.region"() ({
      %run_scoped3A = tpu.sem_alloc : memref<!tpu.dma_semaphore, #tpu.memory_space<semaphore_mem>>
      %dma_start3A_131 = arith.constant 0 : i32
      %dma_start3A_132 = tpu.memref_slice %arg4[%add3A_18, %dma_start3A_131] : memref<32768x64xf32, #tpu.memory_space<hbm>> -> memref<128x64xf32, #tpu.memory_space<hbm>>
      %dma_start3A_133 = arith.constant 0 : i32
      %dma_start3A_134 = tpu.memref_slice %arg4[%add3A_18, %dma_start3A_133] : memref<32768x64xf32, #tpu.memory_space<hbm>> -> memref<128x64xf32, #tpu.memory_space<hbm>>
      tpu.enqueue_dma source(%arg6 : memref<128x64xf32, #tpu.memory_space<vmem>>) target(%dma_start3A_134 : memref<128x64xf32, #tpu.memory_space<hbm>>) target_semaphore(%run_scoped3A : memref<!tpu.dma_semaphore, #tpu.memory_space<semaphore_mem>>)
      %dma_wait3A_135 = arith.constant 0 : i32
      %dma_wait3A_136 = tpu.memref_slice %arg4[%add3A_18, %dma_wait3A_135] : memref<32768x64xf32, #tpu.memory_space<hbm>> -> memref<128x64xf32, #tpu.memory_space<hbm>>
      %dma_wait3A_137 = arith.constant 0 : i32
      %dma_wait3A_138 = tpu.memref_slice %arg4[%add3A_18, %dma_wait3A_137] : memref<32768x64xf32, #tpu.memory_space<hbm>> -> memref<128x64xf32, #tpu.memory_space<hbm>>
      tpu.wait_dma2 semaphore(%run_scoped3A : memref<!tpu.dma_semaphore, #tpu.memory_space<semaphore_mem>>) src(%arg6 : memref<128x64xf32, #tpu.memory_space<vmem>>) dst(%dma_wait3A_138 : memref<128x64xf32, #tpu.memory_space<hbm>>)
      tpu.yield
    }) : () -> ()
    %dma_start3A_19 = arith.constant 1 : i32
    %dma_start3A_20 = arith.constant 0 : i32
    %dma_start3A_21 = tpu.memref_slice %arg5[%dma_start3A_19, %dma_start3A_20] : memref<8x128xi32, #tpu.memory_space<vmem>> -> memref<1x128xi32, #tpu.memory_space<vmem>>
    %dma_start3A_22 = tpu.memref_squeeze %dma_start3A_21 : memref<1x128xi32, #tpu.memory_space<vmem>> -> memref<128xi32, #tpu.memory_space<vmem>>
    %dma_start3A_23 = arith.constant 0 : i32
    %dma_start3A_24 = arith.constant 0 : i32
    %dma_start3A_25 = tpu.memref_slice %arg2[%dma_start3A_23, %dma_start3A_24] : memref<1024x64xf32, #tpu.memory_space<hbm>> -> memref<1024x64xf32, #tpu.memory_space<hbm>>
    tpu.enqueue_indirect_dma source(%dma_start3A_25 : memref<1024x64xf32, #tpu.memory_space<hbm>>) target(%arg6 : memref<128x64xf32, #tpu.memory_space<vmem>>) offsets(%dma_start3A_22 : memref<128xi32, #tpu.memory_space<vmem>>) semaphore(%arg7 : memref<!tpu.dma_semaphore, #tpu.memory_space<semaphore_mem>>)
    %dma_wait3A_26 = arith.constant 1 : i32
    %dma_wait3A_27 = arith.constant 0 : i32
    %dma_wait3A_28 = tpu.memref_slice %arg5[%dma_wait3A_26, %dma_wait3A_27] : memref<8x128xi32, #tpu.memory_space<vmem>> -> memref<1x128xi32, #tpu.memory_space<vmem>>
    %dma_wait3A_29 = tpu.memref_squeeze %dma_wait3A_28 : memref<1x128xi32, #tpu.memory_space<vmem>> -> memref<128xi32, #tpu.memory_space<vmem>>
    %dma_wait3A_30 = arith.constant 0 : i32
    %dma_wait3A_31 = arith.constant 0 : i32
    %dma_wait3A_32 = tpu.memref_slice %arg2[%dma_wait3A_30, %dma_wait3A_31] : memref<1024x64xf32, #tpu.memory_space<hbm>> -> memref<1024x64xf32, #tpu.memory_space<hbm>>
    tpu.wait_indirect_dma semaphore(%arg7 : memref<!tpu.dma_semaphore, #tpu.memory_space<semaphore_mem>>) src(%dma_wait3A_32 : memref<1024x64xf32, #tpu.memory_space<hbm>>) dst(%arg6 : memref<128x64xf32, #tpu.memory_space<vmem>>)
    %add3A_33 = arith.constant 128 : i32
    %add3A_34 = arith.addi %mul3A_4, %add3A_33 : i32
    "tpu.region"() ({
      %run_scoped3A = tpu.sem_alloc : memref<!tpu.dma_semaphore, #tpu.memory_space<semaphore_mem>>
      %dma_start3A_131 = arith.constant 0 : i32
      %dma_start3A_132 = tpu.memref_slice %arg4[%add3A_34, %dma_start3A_131] : memref<32768x64xf32, #tpu.memory_space<hbm>> -> memref<128x64xf32, #tpu.memory_space<hbm>>
      %dma_start3A_133 = arith.constant 0 : i32
      %dma_start3A_134 = tpu.memref_slice %arg4[%add3A_34, %dma_start3A_133] : memref<32768x64xf32, #tpu.memory_space<hbm>> -> memref<128x64xf32, #tpu.memory_space<hbm>>
      tpu.enqueue_dma source(%arg6 : memref<128x64xf32, #tpu.memory_space<vmem>>) target(%dma_start3A_134 : memref<128x64xf32, #tpu.memory_space<hbm>>) target_semaphore(%run_scoped3A : memref<!tpu.dma_semaphore, #tpu.memory_space<semaphore_mem>>)
      %dma_wait3A_135 = arith.constant 0 : i32
      %dma_wait3A_136 = tpu.memref_slice %arg4[%add3A_34, %dma_wait3A_135] : memref<32768x64xf32, #tpu.memory_space<hbm>> -> memref<128x64xf32, #tpu.memory_space<hbm>>
      %dma_wait3A_137 = arith.constant 0 : i32
      %dma_wait3A_138 = tpu.memref_slice %arg4[%add3A_34, %dma_wait3A_137] : memref<32768x64xf32, #tpu.memory_space<hbm>> -> memref<128x64xf32, #tpu.memory_space<hbm>>
      tpu.wait_dma2 semaphore(%run_scoped3A : memref<!tpu.dma_semaphore, #tpu.memory_space<semaphore_mem>>) src(%arg6 : memref<128x64xf32, #tpu.memory_space<vmem>>) dst(%dma_wait3A_138 : memref<128x64xf32, #tpu.memory_space<hbm>>)
      tpu.yield
    }) : () -> ()
    %dma_start3A_35 = arith.constant 2 : i32
    %dma_start3A_36 = arith.constant 0 : i32
    %dma_start3A_37 = tpu.memref_slice %arg5[%dma_start3A_35, %dma_start3A_36] : memref<8x128xi32, #tpu.memory_space<vmem>> -> memref<1x128xi32, #tpu.memory_space<vmem>>
    %dma_start3A_38 = tpu.memref_squeeze %dma_start3A_37 : memref<1x128xi32, #tpu.memory_space<vmem>> -> memref<128xi32, #tpu.memory_space<vmem>>
    %dma_start3A_39 = arith.constant 0 : i32
    %dma_start3A_40 = arith.constant 0 : i32
    %dma_start3A_41 = tpu.memref_slice %arg2[%dma_start3A_39, %dma_start3A_40] : memref<1024x64xf32, #tpu.memory_space<hbm>> -> memref<1024x64xf32, #tpu.memory_space<hbm>>
    tpu.enqueue_indirect_dma source(%dma_start3A_41 : memref<1024x64xf32, #tpu.memory_space<hbm>>) target(%arg6 : memref<128x64xf32, #tpu.memory_space<vmem>>) offsets(%dma_start3A_38 : memref<128xi32, #tpu.memory_space<vmem>>) semaphore(%arg7 : memref<!tpu.dma_semaphore, #tpu.memory_space<semaphore_mem>>)
    %dma_wait3A_42 = arith.constant 2 : i32
    %dma_wait3A_43 = arith.constant 0 : i32
    %dma_wait3A_44 = tpu.memref_slice %arg5[%dma_wait3A_42, %dma_wait3A_43] : memref<8x128xi32, #tpu.memory_space<vmem>> -> memref<1x128xi32, #tpu.memory_space<vmem>>
    %dma_wait3A_45 = tpu.memref_squeeze %dma_wait3A_44 : memref<1x128xi32, #tpu.memory_space<vmem>> -> memref<128xi32, #tpu.memory_space<vmem>>
    %dma_wait3A_46 = arith.constant 0 : i32
    %dma_wait3A_47 = arith.constant 0 : i32
    %dma_wait3A_48 = tpu.memref_slice %arg2[%dma_wait3A_46, %dma_wait3A_47] : memref<1024x64xf32, #tpu.memory_space<hbm>> -> memref<1024x64xf32, #tpu.memory_space<hbm>>
    tpu.wait_indirect_dma semaphore(%arg7 : memref<!tpu.dma_semaphore, #tpu.memory_space<semaphore_mem>>) src(%dma_wait3A_48 : memref<1024x64xf32, #tpu.memory_space<hbm>>) dst(%arg6 : memref<128x64xf32, #tpu.memory_space<vmem>>)
    %add3A_49 = arith.constant 256 : i32
    %add3A_50 = arith.addi %mul3A_4, %add3A_49 : i32
    "tpu.region"() ({
      %run_scoped3A = tpu.sem_alloc : memref<!tpu.dma_semaphore, #tpu.memory_space<semaphore_mem>>
      %dma_start3A_131 = arith.constant 0 : i32
      %dma_start3A_132 = tpu.memref_slice %arg4[%add3A_50, %dma_start3A_131] : memref<32768x64xf32, #tpu.memory_space<hbm>> -> memref<128x64xf32, #tpu.memory_space<hbm>>
      %dma_start3A_133 = arith.constant 0 : i32
      %dma_start3A_134 = tpu.memref_slice %arg4[%add3A_50, %dma_start3A_133] : memref<32768x64xf32, #tpu.memory_space<hbm>> -> memref<128x64xf32, #tpu.memory_space<hbm>>
      tpu.enqueue_dma source(%arg6 : memref<128x64xf32, #tpu.memory_space<vmem>>) target(%dma_start3A_134 : memref<128x64xf32, #tpu.memory_space<hbm>>) target_semaphore(%run_scoped3A : memref<!tpu.dma_semaphore, #tpu.memory_space<semaphore_mem>>)
      %dma_wait3A_135 = arith.constant 0 : i32
      %dma_wait3A_136 = tpu.memref_slice %arg4[%add3A_50, %dma_wait3A_135] : memref<32768x64xf32, #tpu.memory_space<hbm>> -> memref<128x64xf32, #tpu.memory_space<hbm>>
      %dma_wait3A_137 = arith.constant 0 : i32
      %dma_wait3A_138 = tpu.memref_slice %arg4[%add3A_50, %dma_wait3A_137] : memref<32768x64xf32, #tpu.memory_space<hbm>> -> memref<128x64xf32, #tpu.memory_space<hbm>>
      tpu.wait_dma2 semaphore(%run_scoped3A : memref<!tpu.dma_semaphore, #tpu.memory_space<semaphore_mem>>) src(%arg6 : memref<128x64xf32, #tpu.memory_space<vmem>>) dst(%dma_wait3A_138 : memref<128x64xf32, #tpu.memory_space<hbm>>)
      tpu.yield
    }) : () -> ()
    %dma_start3A_51 = arith.constant 3 : i32
    %dma_start3A_52 = arith.constant 0 : i32
    %dma_start3A_53 = tpu.memref_slice %arg5[%dma_start3A_51, %dma_start3A_52] : memref<8x128xi32, #tpu.memory_space<vmem>> -> memref<1x128xi32, #tpu.memory_space<vmem>>
    %dma_start3A_54 = tpu.memref_squeeze %dma_start3A_53 : memref<1x128xi32, #tpu.memory_space<vmem>> -> memref<128xi32, #tpu.memory_space<vmem>>
    %dma_start3A_55 = arith.constant 0 : i32
    %dma_start3A_56 = arith.constant 0 : i32
    %dma_start3A_57 = tpu.memref_slice %arg2[%dma_start3A_55, %dma_start3A_56] : memref<1024x64xf32, #tpu.memory_space<hbm>> -> memref<1024x64xf32, #tpu.memory_space<hbm>>
    tpu.enqueue_indirect_dma source(%dma_start3A_57 : memref<1024x64xf32, #tpu.memory_space<hbm>>) target(%arg6 : memref<128x64xf32, #tpu.memory_space<vmem>>) offsets(%dma_start3A_54 : memref<128xi32, #tpu.memory_space<vmem>>) semaphore(%arg7 : memref<!tpu.dma_semaphore, #tpu.memory_space<semaphore_mem>>)
    %dma_wait3A_58 = arith.constant 3 : i32
    %dma_wait3A_59 = arith.constant 0 : i32
    %dma_wait3A_60 = tpu.memref_slice %arg5[%dma_wait3A_58, %dma_wait3A_59] : memref<8x128xi32, #tpu.memory_space<vmem>> -> memref<1x128xi32, #tpu.memory_space<vmem>>
    %dma_wait3A_61 = tpu.memref_squeeze %dma_wait3A_60 : memref<1x128xi32, #tpu.memory_space<vmem>> -> memref<128xi32, #tpu.memory_space<vmem>>
    %dma_wait3A_62 = arith.constant 0 : i32
    %dma_wait3A_63 = arith.constant 0 : i32
    %dma_wait3A_64 = tpu.memref_slice %arg2[%dma_wait3A_62, %dma_wait3A_63] : memref<1024x64xf32, #tpu.memory_space<hbm>> -> memref<1024x64xf32, #tpu.memory_space<hbm>>
    tpu.wait_indirect_dma semaphore(%arg7 : memref<!tpu.dma_semaphore, #tpu.memory_space<semaphore_mem>>) src(%dma_wait3A_64 : memref<1024x64xf32, #tpu.memory_space<hbm>>) dst(%arg6 : memref<128x64xf32, #tpu.memory_space<vmem>>)
    %add3A_65 = arith.constant 384 : i32
    %add3A_66 = arith.addi %mul3A_4, %add3A_65 : i32
    "tpu.region"() ({
      %run_scoped3A = tpu.sem_alloc : memref<!tpu.dma_semaphore, #tpu.memory_space<semaphore_mem>>
      %dma_start3A_131 = arith.constant 0 : i32
      %dma_start3A_132 = tpu.memref_slice %arg4[%add3A_66, %dma_start3A_131] : memref<32768x64xf32, #tpu.memory_space<hbm>> -> memref<128x64xf32, #tpu.memory_space<hbm>>
      %dma_start3A_133 = arith.constant 0 : i32
      %dma_start3A_134 = tpu.memref_slice %arg4[%add3A_66, %dma_start3A_133] : memref<32768x64xf32, #tpu.memory_space<hbm>> -> memref<128x64xf32, #tpu.memory_space<hbm>>
      tpu.enqueue_dma source(%arg6 : memref<128x64xf32, #tpu.memory_space<vmem>>) target(%dma_start3A_134 : memref<128x64xf32, #tpu.memory_space<hbm>>) target_semaphore(%run_scoped3A : memref<!tpu.dma_semaphore, #tpu.memory_space<semaphore_mem>>)
      %dma_wait3A_135 = arith.constant 0 : i32
      %dma_wait3A_136 = tpu.memref_slice %arg4[%add3A_66, %dma_wait3A_135] : memref<32768x64xf32, #tpu.memory_space<hbm>> -> memref<128x64xf32, #tpu.memory_space<hbm>>
      %dma_wait3A_137 = arith.constant 0 : i32
      %dma_wait3A_138 = tpu.memref_slice %arg4[%add3A_66, %dma_wait3A_137] : memref<32768x64xf32, #tpu.memory_space<hbm>> -> memref<128x64xf32, #tpu.memory_space<hbm>>
      tpu.wait_dma2 semaphore(%run_scoped3A : memref<!tpu.dma_semaphore, #tpu.memory_space<semaphore_mem>>) src(%arg6 : memref<128x64xf32, #tpu.memory_space<vmem>>) dst(%dma_wait3A_138 : memref<128x64xf32, #tpu.memory_space<hbm>>)
      tpu.yield
    }) : () -> ()
    %dma_start3A_67 = arith.constant 4 : i32
    %dma_start3A_68 = arith.constant 0 : i32
    %dma_start3A_69 = tpu.memref_slice %arg5[%dma_start3A_67, %dma_start3A_68] : memref<8x128xi32, #tpu.memory_space<vmem>> -> memref<1x128xi32, #tpu.memory_space<vmem>>
    %dma_start3A_70 = tpu.memref_squeeze %dma_start3A_69 : memref<1x128xi32, #tpu.memory_space<vmem>> -> memref<128xi32, #tpu.memory_space<vmem>>
    %dma_start3A_71 = arith.constant 0 : i32
    %dma_start3A_72 = arith.constant 0 : i32
    %dma_start3A_73 = tpu.memref_slice %arg2[%dma_start3A_71, %dma_start3A_72] : memref<1024x64xf32, #tpu.memory_space<hbm>> -> memref<1024x64xf32, #tpu.memory_space<hbm>>
    tpu.enqueue_indirect_dma source(%dma_start3A_73 : memref<1024x64xf32, #tpu.memory_space<hbm>>) target(%arg6 : memref<128x64xf32, #tpu.memory_space<vmem>>) offsets(%dma_start3A_70 : memref<128xi32, #tpu.memory_space<vmem>>) semaphore(%arg7 : memref<!tpu.dma_semaphore, #tpu.memory_space<semaphore_mem>>)
    %dma_wait3A_74 = arith.constant 4 : i32
    %dma_wait3A_75 = arith.constant 0 : i32
    %dma_wait3A_76 = tpu.memref_slice %arg5[%dma_wait3A_74, %dma_wait3A_75] : memref<8x128xi32, #tpu.memory_space<vmem>> -> memref<1x128xi32, #tpu.memory_space<vmem>>
    %dma_wait3A_77 = tpu.memref_squeeze %dma_wait3A_76 : memref<1x128xi32, #tpu.memory_space<vmem>> -> memref<128xi32, #tpu.memory_space<vmem>>
    %dma_wait3A_78 = arith.constant 0 : i32
    %dma_wait3A_79 = arith.constant 0 : i32
    %dma_wait3A_80 = tpu.memref_slice %arg2[%dma_wait3A_78, %dma_wait3A_79] : memref<1024x64xf32, #tpu.memory_space<hbm>> -> memref<1024x64xf32, #tpu.memory_space<hbm>>
    tpu.wait_indirect_dma semaphore(%arg7 : memref<!tpu.dma_semaphore, #tpu.memory_space<semaphore_mem>>) src(%dma_wait3A_80 : memref<1024x64xf32, #tpu.memory_space<hbm>>) dst(%arg6 : memref<128x64xf32, #tpu.memory_space<vmem>>)
    %add3A_81 = arith.constant 512 : i32
    %add3A_82 = arith.addi %mul3A_4, %add3A_81 : i32
    "tpu.region"() ({
      %run_scoped3A = tpu.sem_alloc : memref<!tpu.dma_semaphore, #tpu.memory_space<semaphore_mem>>
      %dma_start3A_131 = arith.constant 0 : i32
      %dma_start3A_132 = tpu.memref_slice %arg4[%add3A_82, %dma_start3A_131] : memref<32768x64xf32, #tpu.memory_space<hbm>> -> memref<128x64xf32, #tpu.memory_space<hbm>>
      %dma_start3A_133 = arith.constant 0 : i32
      %dma_start3A_134 = tpu.memref_slice %arg4[%add3A_82, %dma_start3A_133] : memref<32768x64xf32, #tpu.memory_space<hbm>> -> memref<128x64xf32, #tpu.memory_space<hbm>>
      tpu.enqueue_dma source(%arg6 : memref<128x64xf32, #tpu.memory_space<vmem>>) target(%dma_start3A_134 : memref<128x64xf32, #tpu.memory_space<hbm>>) target_semaphore(%run_scoped3A : memref<!tpu.dma_semaphore, #tpu.memory_space<semaphore_mem>>)
      %dma_wait3A_135 = arith.constant 0 : i32
      %dma_wait3A_136 = tpu.memref_slice %arg4[%add3A_82, %dma_wait3A_135] : memref<32768x64xf32, #tpu.memory_space<hbm>> -> memref<128x64xf32, #tpu.memory_space<hbm>>
      %dma_wait3A_137 = arith.constant 0 : i32
      %dma_wait3A_138 = tpu.memref_slice %arg4[%add3A_82, %dma_wait3A_137] : memref<32768x64xf32, #tpu.memory_space<hbm>> -> memref<128x64xf32, #tpu.memory_space<hbm>>
      tpu.wait_dma2 semaphore(%run_scoped3A : memref<!tpu.dma_semaphore, #tpu.memory_space<semaphore_mem>>) src(%arg6 : memref<128x64xf32, #tpu.memory_space<vmem>>) dst(%dma_wait3A_138 : memref<128x64xf32, #tpu.memory_space<hbm>>)
      tpu.yield
    }) : () -> ()
    %dma_start3A_83 = arith.constant 5 : i32
    %dma_start3A_84 = arith.constant 0 : i32
    %dma_start3A_85 = tpu.memref_slice %arg5[%dma_start3A_83, %dma_start3A_84] : memref<8x128xi32, #tpu.memory_space<vmem>> -> memref<1x128xi32, #tpu.memory_space<vmem>>
    %dma_start3A_86 = tpu.memref_squeeze %dma_start3A_85 : memref<1x128xi32, #tpu.memory_space<vmem>> -> memref<128xi32, #tpu.memory_space<vmem>>
    %dma_start3A_87 = arith.constant 0 : i32
    %dma_start3A_88 = arith.constant 0 : i32
    %dma_start3A_89 = tpu.memref_slice %arg2[%dma_start3A_87, %dma_start3A_88] : memref<1024x64xf32, #tpu.memory_space<hbm>> -> memref<1024x64xf32, #tpu.memory_space<hbm>>
    tpu.enqueue_indirect_dma source(%dma_start3A_89 : memref<1024x64xf32, #tpu.memory_space<hbm>>) target(%arg6 : memref<128x64xf32, #tpu.memory_space<vmem>>) offsets(%dma_start3A_86 : memref<128xi32, #tpu.memory_space<vmem>>) semaphore(%arg7 : memref<!tpu.dma_semaphore, #tpu.memory_space<semaphore_mem>>)
    %dma_wait3A_90 = arith.constant 5 : i32
    %dma_wait3A_91 = arith.constant 0 : i32
    %dma_wait3A_92 = tpu.memref_slice %arg5[%dma_wait3A_90, %dma_wait3A_91] : memref<8x128xi32, #tpu.memory_space<vmem>> -> memref<1x128xi32, #tpu.memory_space<vmem>>
    %dma_wait3A_93 = tpu.memref_squeeze %dma_wait3A_92 : memref<1x128xi32, #tpu.memory_space<vmem>> -> memref<128xi32, #tpu.memory_space<vmem>>
    %dma_wait3A_94 = arith.constant 0 : i32
    %dma_wait3A_95 = arith.constant 0 : i32
    %dma_wait3A_96 = tpu.memref_slice %arg2[%dma_wait3A_94, %dma_wait3A_95] : memref<1024x64xf32, #tpu.memory_space<hbm>> -> memref<1024x64xf32, #tpu.memory_space<hbm>>
    tpu.wait_indirect_dma semaphore(%arg7 : memref<!tpu.dma_semaphore, #tpu.memory_space<semaphore_mem>>) src(%dma_wait3A_96 : memref<1024x64xf32, #tpu.memory_space<hbm>>) dst(%arg6 : memref<128x64xf32, #tpu.memory_space<vmem>>)
    %add3A_97 = arith.constant 640 : i32
    %add3A_98 = arith.addi %mul3A_4, %add3A_97 : i32
    "tpu.region"() ({
      %run_scoped3A = tpu.sem_alloc : memref<!tpu.dma_semaphore, #tpu.memory_space<semaphore_mem>>
      %dma_start3A_131 = arith.constant 0 : i32
      %dma_start3A_132 = tpu.memref_slice %arg4[%add3A_98, %dma_start3A_131] : memref<32768x64xf32, #tpu.memory_space<hbm>> -> memref<128x64xf32, #tpu.memory_space<hbm>>
      %dma_start3A_133 = arith.constant 0 : i32
      %dma_start3A_134 = tpu.memref_slice %arg4[%add3A_98, %dma_start3A_133] : memref<32768x64xf32, #tpu.memory_space<hbm>> -> memref<128x64xf32, #tpu.memory_space<hbm>>
      tpu.enqueue_dma source(%arg6 : memref<128x64xf32, #tpu.memory_space<vmem>>) target(%dma_start3A_134 : memref<128x64xf32, #tpu.memory_space<hbm>>) target_semaphore(%run_scoped3A : memref<!tpu.dma_semaphore, #tpu.memory_space<semaphore_mem>>)
      %dma_wait3A_135 = arith.constant 0 : i32
      %dma_wait3A_136 = tpu.memref_slice %arg4[%add3A_98, %dma_wait3A_135] : memref<32768x64xf32, #tpu.memory_space<hbm>> -> memref<128x64xf32, #tpu.memory_space<hbm>>
      %dma_wait3A_137 = arith.constant 0 : i32
      %dma_wait3A_138 = tpu.memref_slice %arg4[%add3A_98, %dma_wait3A_137] : memref<32768x64xf32, #tpu.memory_space<hbm>> -> memref<128x64xf32, #tpu.memory_space<hbm>>
      tpu.wait_dma2 semaphore(%run_scoped3A : memref<!tpu.dma_semaphore, #tpu.memory_space<semaphore_mem>>) src(%arg6 : memref<128x64xf32, #tpu.memory_space<vmem>>) dst(%dma_wait3A_138 : memref<128x64xf32, #tpu.memory_space<hbm>>)
      tpu.yield
    }) : () -> ()
    %dma_start3A_99 = arith.constant 6 : i32
    %dma_start3A_100 = arith.constant 0 : i32
    %dma_start3A_101 = tpu.memref_slice %arg5[%dma_start3A_99, %dma_start3A_100] : memref<8x128xi32, #tpu.memory_space<vmem>> -> memref<1x128xi32, #tpu.memory_space<vmem>>
    %dma_start3A_102 = tpu.memref_squeeze %dma_start3A_101 : memref<1x128xi32, #tpu.memory_space<vmem>> -> memref<128xi32, #tpu.memory_space<vmem>>
    %dma_start3A_103 = arith.constant 0 : i32
    %dma_start3A_104 = arith.constant 0 : i32
    %dma_start3A_105 = tpu.memref_slice %arg2[%dma_start3A_103, %dma_start3A_104] : memref<1024x64xf32, #tpu.memory_space<hbm>> -> memref<1024x64xf32, #tpu.memory_space<hbm>>
    tpu.enqueue_indirect_dma source(%dma_start3A_105 : memref<1024x64xf32, #tpu.memory_space<hbm>>) target(%arg6 : memref<128x64xf32, #tpu.memory_space<vmem>>) offsets(%dma_start3A_102 : memref<128xi32, #tpu.memory_space<vmem>>) semaphore(%arg7 : memref<!tpu.dma_semaphore, #tpu.memory_space<semaphore_mem>>)
    %dma_wait3A_106 = arith.constant 6 : i32
    %dma_wait3A_107 = arith.constant 0 : i32
    %dma_wait3A_108 = tpu.memref_slice %arg5[%dma_wait3A_106, %dma_wait3A_107] : memref<8x128xi32, #tpu.memory_space<vmem>> -> memref<1x128xi32, #tpu.memory_space<vmem>>
    %dma_wait3A_109 = tpu.memref_squeeze %dma_wait3A_108 : memref<1x128xi32, #tpu.memory_space<vmem>> -> memref<128xi32, #tpu.memory_space<vmem>>
    %dma_wait3A_110 = arith.constant 0 : i32
    %dma_wait3A_111 = arith.constant 0 : i32
    %dma_wait3A_112 = tpu.memref_slice %arg2[%dma_wait3A_110, %dma_wait3A_111] : memref<1024x64xf32, #tpu.memory_space<hbm>> -> memref<1024x64xf32, #tpu.memory_space<hbm>>
    tpu.wait_indirect_dma semaphore(%arg7 : memref<!tpu.dma_semaphore, #tpu.memory_space<semaphore_mem>>) src(%dma_wait3A_112 : memref<1024x64xf32, #tpu.memory_space<hbm>>) dst(%arg6 : memref<128x64xf32, #tpu.memory_space<vmem>>)
    %add3A_113 = arith.constant 768 : i32
    %add3A_114 = arith.addi %mul3A_4, %add3A_113 : i32
    "tpu.region"() ({
      %run_scoped3A = tpu.sem_alloc : memref<!tpu.dma_semaphore, #tpu.memory_space<semaphore_mem>>
      %dma_start3A_131 = arith.constant 0 : i32
      %dma_start3A_132 = tpu.memref_slice %arg4[%add3A_114, %dma_start3A_131] : memref<32768x64xf32, #tpu.memory_space<hbm>> -> memref<128x64xf32, #tpu.memory_space<hbm>>
      %dma_start3A_133 = arith.constant 0 : i32
      %dma_start3A_134 = tpu.memref_slice %arg4[%add3A_114, %dma_start3A_133] : memref<32768x64xf32, #tpu.memory_space<hbm>> -> memref<128x64xf32, #tpu.memory_space<hbm>>
      tpu.enqueue_dma source(%arg6 : memref<128x64xf32, #tpu.memory_space<vmem>>) target(%dma_start3A_134 : memref<128x64xf32, #tpu.memory_space<hbm>>) target_semaphore(%run_scoped3A : memref<!tpu.dma_semaphore, #tpu.memory_space<semaphore_mem>>)
      %dma_wait3A_135 = arith.constant 0 : i32
      %dma_wait3A_136 = tpu.memref_slice %arg4[%add3A_114, %dma_wait3A_135] : memref<32768x64xf32, #tpu.memory_space<hbm>> -> memref<128x64xf32, #tpu.memory_space<hbm>>
      %dma_wait3A_137 = arith.constant 0 : i32
      %dma_wait3A_138 = tpu.memref_slice %arg4[%add3A_114, %dma_wait3A_137] : memref<32768x64xf32, #tpu.memory_space<hbm>> -> memref<128x64xf32, #tpu.memory_space<hbm>>
      tpu.wait_dma2 semaphore(%run_scoped3A : memref<!tpu.dma_semaphore, #tpu.memory_space<semaphore_mem>>) src(%arg6 : memref<128x64xf32, #tpu.memory_space<vmem>>) dst(%dma_wait3A_138 : memref<128x64xf32, #tpu.memory_space<hbm>>)
      tpu.yield
    }) : () -> ()
    %dma_start3A_115 = arith.constant 7 : i32
    %dma_start3A_116 = arith.constant 0 : i32
    %dma_start3A_117 = tpu.memref_slice %arg5[%dma_start3A_115, %dma_start3A_116] : memref<8x128xi32, #tpu.memory_space<vmem>> -> memref<1x128xi32, #tpu.memory_space<vmem>>
    %dma_start3A_118 = tpu.memref_squeeze %dma_start3A_117 : memref<1x128xi32, #tpu.memory_space<vmem>> -> memref<128xi32, #tpu.memory_space<vmem>>
    %dma_start3A_119 = arith.constant 0 : i32
    %dma_start3A_120 = arith.constant 0 : i32
    %dma_start3A_121 = tpu.memref_slice %arg2[%dma_start3A_119, %dma_start3A_120] : memref<1024x64xf32, #tpu.memory_space<hbm>> -> memref<1024x64xf32, #tpu.memory_space<hbm>>
    tpu.enqueue_indirect_dma source(%dma_start3A_121 : memref<1024x64xf32, #tpu.memory_space<hbm>>) target(%arg6 : memref<128x64xf32, #tpu.memory_space<vmem>>) offsets(%dma_start3A_118 : memref<128xi32, #tpu.memory_space<vmem>>) semaphore(%arg7 : memref<!tpu.dma_semaphore, #tpu.memory_space<semaphore_mem>>)
    %dma_wait3A_122 = arith.constant 7 : i32
    %dma_wait3A_123 = arith.constant 0 : i32
    %dma_wait3A_124 = tpu.memref_slice %arg5[%dma_wait3A_122, %dma_wait3A_123] : memref<8x128xi32, #tpu.memory_space<vmem>> -> memref<1x128xi32, #tpu.memory_space<vmem>>
    %dma_wait3A_125 = tpu.memref_squeeze %dma_wait3A_124 : memref<1x128xi32, #tpu.memory_space<vmem>> -> memref<128xi32, #tpu.memory_space<vmem>>
    %dma_wait3A_126 = arith.constant 0 : i32
    %dma_wait3A_127 = arith.constant 0 : i32
    %dma_wait3A_128 = tpu.memref_slice %arg2[%dma_wait3A_126, %dma_wait3A_127] : memref<1024x64xf32, #tpu.memory_space<hbm>> -> memref<1024x64xf32, #tpu.memory_space<hbm>>
    tpu.wait_indirect_dma semaphore(%arg7 : memref<!tpu.dma_semaphore, #tpu.memory_space<semaphore_mem>>) src(%dma_wait3A_128 : memref<1024x64xf32, #tpu.memory_space<hbm>>) dst(%arg6 : memref<128x64xf32, #tpu.memory_space<vmem>>)
    %add3A_129 = arith.constant 896 : i32
    %add3A_130 = arith.addi %mul3A_4, %add3A_129 : i32
    "tpu.region"() ({
      %run_scoped3A = tpu.sem_alloc : memref<!tpu.dma_semaphore, #tpu.memory_space<semaphore_mem>>
      %dma_start3A_131 = arith.constant 0 : i32
      %dma_start3A_132 = tpu.memref_slice %arg4[%add3A_130, %dma_start3A_131] : memref<32768x64xf32, #tpu.memory_space<hbm>> -> memref<128x64xf32, #tpu.memory_space<hbm>>
      %dma_start3A_133 = arith.constant 0 : i32
      %dma_start3A_134 = tpu.memref_slice %arg4[%add3A_130, %dma_start3A_133] : memref<32768x64xf32, #tpu.memory_space<hbm>> -> memref<128x64xf32, #tpu.memory_space<hbm>>
      tpu.enqueue_dma source(%arg6 : memref<128x64xf32, #tpu.memory_space<vmem>>) target(%dma_start3A_134 : memref<128x64xf32, #tpu.memory_space<hbm>>) target_semaphore(%run_scoped3A : memref<!tpu.dma_semaphore, #tpu.memory_space<semaphore_mem>>)
      %dma_wait3A_135 = arith.constant 0 : i32
      %dma_wait3A_136 = tpu.memref_slice %arg4[%add3A_130, %dma_wait3A_135] : memref<32768x64xf32, #tpu.memory_space<hbm>> -> memref<128x64xf32, #tpu.memory_space<hbm>>
      %dma_wait3A_137 = arith.constant 0 : i32
      %dma_wait3A_138 = tpu.memref_slice %arg4[%add3A_130, %dma_wait3A_137] : memref<32768x64xf32, #tpu.memory_space<hbm>> -> memref<128x64xf32, #tpu.memory_space<hbm>>
      tpu.wait_dma2 semaphore(%run_scoped3A : memref<!tpu.dma_semaphore, #tpu.memory_space<semaphore_mem>>) src(%arg6 : memref<128x64xf32, #tpu.memory_space<vmem>>) dst(%dma_wait3A_138 : memref<128x64xf32, #tpu.memory_space<hbm>>)
      tpu.yield
    }) : () -> ()
    return
  }
}

module attributes {stable_mosaic.version = 14 : i64} {
  func.func @_argmin_body(%arg0: i32, %arg1: memref<2048x64xf32, #tpu.memory_space<vmem>>, %arg2: memref<1024x64xf32, #tpu.memory_space<vmem>>, %arg3: memref<2048x1xi32, #tpu.memory_space<vmem>>, %arg4: memref<1x1xf32, #tpu.memory_space<smem>>) attributes {dimension_semantics = [#tpu.dimension_semantics<arbitrary>], iteration_bounds = array<i64: 16>, scalar_prefetch = 0 : i64, scratch_operands = 0 : i64, tpu.core_type = #tpu.core_type<tc>, window_params = [{transform_indices = @transform_0, window_bounds = array<i64: 2048, 64>}, {pipeline_mode = #tpu.pipeline_mode<synchronous>, transform_indices = @transform_1, window_bounds = array<i64: 1024, 64>}, {transform_indices = @transform_2, window_bounds = array<i64: 2048, 1>}, {transform_indices = @transform_3, window_bounds = array<i64: 1, 1>}]} {
    %get3A = arith.constant 0 : index
    %get3A_0 = arith.constant 0 : index
    %get3A_1 = vector.load %arg1[%get3A, %get3A_0] : memref<2048x64xf32, #tpu.memory_space<vmem>>, vector<2048x64xf32>
    %get3A_2 = arith.constant 0 : index
    %get3A_3 = arith.constant 0 : index
    %get3A_4 = vector.load %arg2[%get3A_2, %get3A_3] : memref<1024x64xf32, #tpu.memory_space<vmem>>, vector<1024x64xf32>
    %mul3A = arith.mulf %get3A_1, %get3A_1 : vector<2048x64xf32>
    %slice3A = vector.extract_strided_slice %mul3A {offsets = [0, 0], sizes = [2048, 8], strides = [1, 1]} : vector<2048x64xf32> to vector<2048x8xf32>
    %slice3A_5 = vector.extract_strided_slice %mul3A {offsets = [0, 8], sizes = [2048, 8], strides = [1, 1]} : vector<2048x64xf32> to vector<2048x8xf32>
    %add3A = arith.addf %slice3A, %slice3A_5 : vector<2048x8xf32>
    %slice3A_6 = vector.extract_strided_slice %mul3A {offsets = [0, 16], sizes = [2048, 8], strides = [1, 1]} : vector<2048x64xf32> to vector<2048x8xf32>
    %add3A_7 = arith.addf %add3A, %slice3A_6 : vector<2048x8xf32>
    %slice3A_8 = vector.extract_strided_slice %mul3A {offsets = [0, 24], sizes = [2048, 8], strides = [1, 1]} : vector<2048x64xf32> to vector<2048x8xf32>
    %add3A_9 = arith.addf %add3A_7, %slice3A_8 : vector<2048x8xf32>
    %slice3A_10 = vector.extract_strided_slice %mul3A {offsets = [0, 32], sizes = [2048, 8], strides = [1, 1]} : vector<2048x64xf32> to vector<2048x8xf32>
    %add3A_11 = arith.addf %add3A_9, %slice3A_10 : vector<2048x8xf32>
    %slice3A_12 = vector.extract_strided_slice %mul3A {offsets = [0, 40], sizes = [2048, 8], strides = [1, 1]} : vector<2048x64xf32> to vector<2048x8xf32>
    %add3A_13 = arith.addf %add3A_11, %slice3A_12 : vector<2048x8xf32>
    %slice3A_14 = vector.extract_strided_slice %mul3A {offsets = [0, 48], sizes = [2048, 8], strides = [1, 1]} : vector<2048x64xf32> to vector<2048x8xf32>
    %add3A_15 = arith.addf %add3A_13, %slice3A_14 : vector<2048x8xf32>
    %slice3A_16 = vector.extract_strided_slice %mul3A {offsets = [0, 56], sizes = [2048, 8], strides = [1, 1]} : vector<2048x64xf32> to vector<2048x8xf32>
    %add3A_17 = arith.addf %add3A_15, %slice3A_16 : vector<2048x8xf32>
    %slice3A_18 = vector.extract_strided_slice %add3A_17 {offsets = [0, 0], sizes = [2048, 1], strides = [1, 1]} : vector<2048x8xf32> to vector<2048x1xf32>
    %slice3A_19 = vector.extract_strided_slice %add3A_17 {offsets = [0, 4], sizes = [2048, 1], strides = [1, 1]} : vector<2048x8xf32> to vector<2048x1xf32>
    %add3A_20 = arith.addf %slice3A_18, %slice3A_19 : vector<2048x1xf32>
    %slice3A_21 = vector.extract_strided_slice %add3A_17 {offsets = [0, 2], sizes = [2048, 1], strides = [1, 1]} : vector<2048x8xf32> to vector<2048x1xf32>
    %slice3A_22 = vector.extract_strided_slice %add3A_17 {offsets = [0, 6], sizes = [2048, 1], strides = [1, 1]} : vector<2048x8xf32> to vector<2048x1xf32>
    %add3A_23 = arith.addf %slice3A_21, %slice3A_22 : vector<2048x1xf32>
    %add3A_24 = arith.addf %add3A_20, %add3A_23 : vector<2048x1xf32>
    %slice3A_25 = vector.extract_strided_slice %add3A_17 {offsets = [0, 1], sizes = [2048, 1], strides = [1, 1]} : vector<2048x8xf32> to vector<2048x1xf32>
    %slice3A_26 = vector.extract_strided_slice %add3A_17 {offsets = [0, 5], sizes = [2048, 1], strides = [1, 1]} : vector<2048x8xf32> to vector<2048x1xf32>
    %add3A_27 = arith.addf %slice3A_25, %slice3A_26 : vector<2048x1xf32>
    %slice3A_28 = vector.extract_strided_slice %add3A_17 {offsets = [0, 3], sizes = [2048, 1], strides = [1, 1]} : vector<2048x8xf32> to vector<2048x1xf32>
    %slice3A_29 = vector.extract_strided_slice %add3A_17 {offsets = [0, 7], sizes = [2048, 1], strides = [1, 1]} : vector<2048x8xf32> to vector<2048x1xf32>
    %add3A_30 = arith.addf %slice3A_28, %slice3A_29 : vector<2048x1xf32>
    %add3A_31 = arith.addf %add3A_27, %add3A_30 : vector<2048x1xf32>
    %add3A_32 = arith.addf %add3A_24, %add3A_31 : vector<2048x1xf32>
    %mul3A_33 = arith.mulf %get3A_4, %get3A_4 : vector<1024x64xf32>
    %slice3A_34 = vector.extract_strided_slice %mul3A_33 {offsets = [0, 0], sizes = [1024, 8], strides = [1, 1]} : vector<1024x64xf32> to vector<1024x8xf32>
    %slice3A_35 = vector.extract_strided_slice %mul3A_33 {offsets = [0, 8], sizes = [1024, 8], strides = [1, 1]} : vector<1024x64xf32> to vector<1024x8xf32>
    %add3A_36 = arith.addf %slice3A_34, %slice3A_35 : vector<1024x8xf32>
    %slice3A_37 = vector.extract_strided_slice %mul3A_33 {offsets = [0, 16], sizes = [1024, 8], strides = [1, 1]} : vector<1024x64xf32> to vector<1024x8xf32>
    %add3A_38 = arith.addf %add3A_36, %slice3A_37 : vector<1024x8xf32>
    %slice3A_39 = vector.extract_strided_slice %mul3A_33 {offsets = [0, 24], sizes = [1024, 8], strides = [1, 1]} : vector<1024x64xf32> to vector<1024x8xf32>
    %add3A_40 = arith.addf %add3A_38, %slice3A_39 : vector<1024x8xf32>
    %slice3A_41 = vector.extract_strided_slice %mul3A_33 {offsets = [0, 32], sizes = [1024, 8], strides = [1, 1]} : vector<1024x64xf32> to vector<1024x8xf32>
    %add3A_42 = arith.addf %add3A_40, %slice3A_41 : vector<1024x8xf32>
    %slice3A_43 = vector.extract_strided_slice %mul3A_33 {offsets = [0, 40], sizes = [1024, 8], strides = [1, 1]} : vector<1024x64xf32> to vector<1024x8xf32>
    %add3A_44 = arith.addf %add3A_42, %slice3A_43 : vector<1024x8xf32>
    %slice3A_45 = vector.extract_strided_slice %mul3A_33 {offsets = [0, 48], sizes = [1024, 8], strides = [1, 1]} : vector<1024x64xf32> to vector<1024x8xf32>
    %add3A_46 = arith.addf %add3A_44, %slice3A_45 : vector<1024x8xf32>
    %slice3A_47 = vector.extract_strided_slice %mul3A_33 {offsets = [0, 56], sizes = [1024, 8], strides = [1, 1]} : vector<1024x64xf32> to vector<1024x8xf32>
    %add3A_48 = arith.addf %add3A_46, %slice3A_47 : vector<1024x8xf32>
    %slice3A_49 = vector.extract_strided_slice %add3A_48 {offsets = [0, 0], sizes = [1024, 1], strides = [1, 1]} : vector<1024x8xf32> to vector<1024x1xf32>
    %slice3A_50 = vector.extract_strided_slice %add3A_48 {offsets = [0, 4], sizes = [1024, 1], strides = [1, 1]} : vector<1024x8xf32> to vector<1024x1xf32>
    %add3A_51 = arith.addf %slice3A_49, %slice3A_50 : vector<1024x1xf32>
    %slice3A_52 = vector.extract_strided_slice %add3A_48 {offsets = [0, 2], sizes = [1024, 1], strides = [1, 1]} : vector<1024x8xf32> to vector<1024x1xf32>
    %slice3A_53 = vector.extract_strided_slice %add3A_48 {offsets = [0, 6], sizes = [1024, 1], strides = [1, 1]} : vector<1024x8xf32> to vector<1024x1xf32>
    %add3A_54 = arith.addf %slice3A_52, %slice3A_53 : vector<1024x1xf32>
    %add3A_55 = arith.addf %add3A_51, %add3A_54 : vector<1024x1xf32>
    %slice3A_56 = vector.extract_strided_slice %add3A_48 {offsets = [0, 1], sizes = [1024, 1], strides = [1, 1]} : vector<1024x8xf32> to vector<1024x1xf32>
    %slice3A_57 = vector.extract_strided_slice %add3A_48 {offsets = [0, 5], sizes = [1024, 1], strides = [1, 1]} : vector<1024x8xf32> to vector<1024x1xf32>
    %add3A_58 = arith.addf %slice3A_56, %slice3A_57 : vector<1024x1xf32>
    %slice3A_59 = vector.extract_strided_slice %add3A_48 {offsets = [0, 3], sizes = [1024, 1], strides = [1, 1]} : vector<1024x8xf32> to vector<1024x1xf32>
    %slice3A_60 = vector.extract_strided_slice %add3A_48 {offsets = [0, 7], sizes = [1024, 1], strides = [1, 1]} : vector<1024x8xf32> to vector<1024x1xf32>
    %add3A_61 = arith.addf %slice3A_59, %slice3A_60 : vector<1024x1xf32>
    %add3A_62 = arith.addf %add3A_58, %add3A_61 : vector<1024x1xf32>
    %add3A_63 = arith.addf %add3A_55, %add3A_62 : vector<1024x1xf32>
    %squeeze3A = vector.shape_cast %add3A_63 : vector<1024x1xf32> to vector<1024xf32>
    %dot_general3A = arith.constant dense<0.000000e+00> : vector<2048x1024xf32>
    %dot_general3A_64 = tpu.matmul %get3A_1, %get3A_4, %dot_general3A {dimension_numbers = #tpu.dot_dimension_numbers<[1], [1], [0], [0], [0, 0, 1, 0], [], []>, transpose_lhs_hint = false} : vector<2048x64xf32>, vector<1024x64xf32>, vector<2048x1024xf32> -> vector<2048x1024xf32>
    %broadcast_in_dim3A = vector.shape_cast %squeeze3A : vector<1024xf32> to vector<1x1024xf32>
    %add3A_65 = vector.broadcast %add3A_32 : vector<2048x1xf32> to vector<2048x1024xf32>
    %add3A_66 = vector.broadcast %broadcast_in_dim3A : vector<1x1024xf32> to vector<2048x1024xf32>
    %add3A_67 = arith.addf %add3A_65, %add3A_66 : vector<2048x1024xf32>
    %mul3A_68 = arith.constant 2.000000e+00 : f32
    %mul3A_69 = vector.broadcast %mul3A_68 : f32 to vector<2048x1024xf32>
    %mul3A_70 = arith.mulf %mul3A_69, %dot_general3A_64 : vector<2048x1024xf32>
    %sub3A = arith.subf %add3A_67, %mul3A_70 : vector<2048x1024xf32>
    %reduce_min3A = arith.constant dense<0x7F800000> : vector<2048xf32>
    %reduce_min3A_71 = vector.multi_reduction <minimumf>, %sub3A, %reduce_min3A [1] : vector<2048x1024xf32> to vector<2048xf32>
    %broadcast_in_dim3A_72 = vector.shape_cast %reduce_min3A_71 : vector<2048xf32> to vector<2048x1xf32>
    %iota3A = tpu.iota {dimensions = array<i32: 1>} : vector<2048x1024xi32>
    %eq3A = vector.broadcast %broadcast_in_dim3A_72 : vector<2048x1xf32> to vector<2048x1024xf32>
    %eq3A_73 = arith.cmpf oeq, %sub3A, %eq3A : vector<2048x1024xf32>
    %jit3A = arith.constant 1024 : i32
    %broadcast_in_dim3A_74 = vector.broadcast %jit3A : i32 to vector<2048x1024xi32>
    %select_n3A = arith.select %eq3A_73, %iota3A, %broadcast_in_dim3A_74 : vector<2048x1024xi1>, vector<2048x1024xi32>
    %reduce_min3A_75 = arith.constant dense<2147483647> : vector<2048xi32>
    %reduce_min3A_76 = vector.multi_reduction <minsi>, %select_n3A, %reduce_min3A_75 [1] : vector<2048x1024xi32> to vector<2048xi32>
    %broadcast_in_dim3A_77 = vector.shape_cast %reduce_min3A_76 : vector<2048xi32> to vector<2048x1xi32>
    %swap3A = arith.constant 0 : index
    %swap3A_78 = arith.constant 0 : index
    %swap3A_79 = vector.load %arg3[%swap3A, %swap3A_78] : memref<2048x1xi32, #tpu.memory_space<vmem>>, vector<2048x1xi32>
    tpu.vector_store %arg3[%swap3A, %swap3A_78], %broadcast_in_dim3A_77 {strides = array<i32>} : memref<2048x1xi32, #tpu.memory_space<vmem>>, vector<2048x1xi32>,
    %reduce_sum3A = vector.shape_cast %broadcast_in_dim3A_72 : vector<2048x1xf32> to vector<1x2048x1xf32>
    %reduce_sum3A_80 = arith.constant dense<0.000000e+00> : vector<1xf32>
    %reduce_sum3A_81 = vector.multi_reduction <add>, %reduce_sum3A, %reduce_sum3A_80 [1, 2] : vector<1x2048x1xf32> to vector<1xf32>
    %reduce_sum3A_82 = vector.shape_cast %reduce_sum3A_81 : vector<1xf32> to vector<1x1x1xf32>
    %reduce_sum3A_83 = vector.extract %reduce_sum3A_82[0, 0, 0] : f32 from vector<1x1x1xf32>
    %eq3A_84 = arith.constant 0 : i32
    %eq3A_85 = arith.cmpi eq, %arg0, %eq3A_84 : i32
    %convert_element_type3A = arith.extui %eq3A_85 : i1 to i32
    %cond3A = arith.constant 0 : i32
    %cond3A_86 = arith.cmpi ne, %convert_element_type3A, %cond3A : i32
    scf.if %cond3A_86 {
      %swap3A_91 = arith.constant 0 : index
      %swap3A_92 = arith.constant 0 : index
      %swap3A_93 = memref.load %arg4[%swap3A_91, %swap3A_92] : memref<1x1xf32, #tpu.memory_space<smem>>
      memref.store %reduce_sum3A_83, %arg4[%swap3A_91, %swap3A_92] : memref<1x1xf32, #tpu.memory_space<smem>>
    } else {
    }
    %ne3A = arith.constant 0 : i32
    %ne3A_87 = arith.cmpi ne, %arg0, %ne3A : i32
    %convert_element_type3A_88 = arith.extui %ne3A_87 : i1 to i32
    %cond3A_89 = arith.constant 0 : i32
    %cond3A_90 = arith.cmpi ne, %convert_element_type3A_88, %cond3A_89 : i32
    scf.if %cond3A_90 {
      %get3A_91 = arith.constant 0 : index
      %get3A_92 = arith.constant 0 : index
      %get3A_93 = memref.load %arg4[%get3A_91, %get3A_92] : memref<1x1xf32, #tpu.memory_space<smem>>
      %add3A_94 = arith.addf %get3A_93, %reduce_sum3A_83 : f32
      %swap3A_95 = arith.constant 0 : index
      %swap3A_96 = arith.constant 0 : index
      %swap3A_97 = memref.load %arg4[%swap3A_95, %swap3A_96] : memref<1x1xf32, #tpu.memory_space<smem>>
      memref.store %add3A_94, %arg4[%swap3A_95, %swap3A_96] : memref<1x1xf32, #tpu.memory_space<smem>>
    } else {
    }
    return
  }
  func.func @transform_0(%arg0: i32) -> (i32, i32) {
    %c0_i32 = arith.constant 0 : i32
    %c0_i32_0 = arith.constant 0 : i32
    return %arg0, %c0_i32 : i32, i32
  }
  func.func @transform_1(%arg0: i32) -> (i32, i32) {
    %c0_i32 = arith.constant 0 : i32
    %c0_i32_0 = arith.constant 0 : i32
    %c0_i32_1 = arith.constant 0 : i32
    return %c0_i32, %c0_i32_0 : i32, i32
  }
  func.func @transform_2(%arg0: i32) -> (i32, i32) {
    %c0_i32 = arith.constant 0 : i32
    %c0_i32_0 = arith.constant 0 : i32
    return %arg0, %c0_i32 : i32, i32
  }
  func.func @transform_3(%arg0: i32) -> (i32, i32) {
    %c0_i32 = arith.constant 0 : i32
    %c0_i32_0 = arith.constant 0 : i32
    %c0_i32_1 = arith.constant 0 : i32
    return %c0_i32, %c0_i32_0 : i32, i32
  }
}

</mosaic_0001>

<sc_bundles>
// kernel: kernel.4.cloned.1.call-start
scs
__scs_entry_jumppad:
0x0: {  	(pc) =	sbr.rel $0x88, $3  }
0x1: {  	(tag) =	ssettag $0x0;
	lr =	simm.s32 $0x1  }
0x2: {  	[smem:$0x3F9F] =	sst lr;
	_ =	strace $0xD0000000  }
0x3: {  	_ = 	snop  }
0x4: {  	_ = 	snop  }
0x5: {  	_ = 	snop  }
0x6: {  	_ = 	snop  }
0x7: {  	_ = 	snop  }
__scs_overlays_trampoline_lowered:
0x8: {  	[smem:$0x3FAE] =	sst s0  }
0x9: {  	[smem:$0x3FAF] =	sst s1  }
0xa: {  	[smem:$0x3FB0] =	sst s2  }
0xb: {  	[smem:$0x3FB1] =	sst s3  }
0xc: {  	[smem:$0x3FB2] =	sst s4  }
0xd: {  	[smem:$0x3FB3] =	sst s5  }
0xe: {  	[smem:$0x3FB4] =	sst s6  }
0xf: {  	[smem:$0x3FB5] =	sst s7  }
0x10: {  	[smem:$0x3FB6] =	sst s8  }
0x11: {  	[smem:$0x3FB7] =	sst s9;
	s0 =	simm.s32 @!p0 $0x0  }
0x12: {  	s1 =	sld [smem:$0x3F9D];
	s0 =	simm.s32 @p0 $0x1  }
0x13: {  	[smem:$0x3FB8] =	sst s0;
	s0 =	simm.s32 @!p1 $0x0  }
0x14: {  	s2 =	sld [smem:$0x3F9C];
	s0 =	simm.s32 @p1 $0x1  }
0x15: {  	[smem:$0x3FB9] =	sst s0;
	s0 =	simm.s32 @!p2 $0x0  }
0x16: {  	s3 =	sld [smem:$0x3FDB];
	s0 =	simm.s32 @p2 $0x1  }
0x17: {  	s4 =	simm.s32 $0x1BF5;
	[smem:$0x3FBB] =	sst s0  }
0x18: {  	s0 =	sld [smem:$0x3F9E];
	_ =	swait.ge [sflag:s4], $0x0  }
0x19: {  	s7 =	sld [smem:$0x3F9F]  }
0x1a: {  	s8 =	sadd.s32 $0xFFFFE003, lr  }
0x1b: {  	s9 =	sadd.s32 $0xFFFFFEF7, lr;
	s5 =	simm.s32 $0xFFFFFFFF;
	p2 =	slt.u32 s8, $0xFFFFF086  }
0x1c: {  	p1 =	slt.u32 s9, $0xF7A;
	s5 =	simm.s32 @!p2 $0x0  }
0x1d: {  	s5 =	simm.s32 @p1 $0x1;
	p0 =	seq.s32 s7, s2  }
0x1e: {  	s7 =	smul.u32 @!p0 $0xF7A, s2;
	p2 =	seq.s32 @!p0 s5, $0x0  }
0x1f: {  	s9 =	smul.u32 $0xF7A, s1;
	s8 =	simm.s32 @!p0 $0x1BF5;
	p2 =	por !p2, p0  }
0x20: {  	[sflag:s8] =	ssyncset.s32 @!p0 $0xFFFFF086;
	s6 =	sadd.s32 @!p0 s3, s7;
	s7 =	simm.s32 @!p0 $0x108  }
0x21: {  	s3 =	sadd.s32 s3, s9;
	s6 =	sadd.s32 @!p0 $0x88, s6;
	s7 =	simm.s32 @p2 $0x1082  }
0x22: {  	[simem:s7], [sflag:s8] =	dma.local @!p0 [hbm:s6], $0xF7A  }
0x23: {  	s9 =	sor.u32 $0xD0000000, s2;
	s6 =	simm.s32 $0x108;
	_ =	swait.ge @!p0 [sflag:s8], $0x0  }
0x24: {  	s3 =	sadd.s32 $0x88, s3;
	s6 =	simm.s32 @!p1 $0x1082;
	[sflag:s4] =	ssyncset.s32 $0xFFFFF086  }
0x25: {  	[simem:s6], [sflag:s4] =	dma.local [hbm:s3], $0xF7A  }
0x26: {  	[smem:$0x3F9F] =	sst s1;
	(tag) =	ssettag s2;
	_ =	strace s9  }
0x27: {  	s1 =	sld [smem:$0x3FAF]  }
0x28: {  	s2 =	sld [smem:$0x3FB0]  }
0x29: {  	s4 =	sld [smem:$0x3FB2]  }
0x2a: {  	p0 =	seq.s32 s5, $0x0;
	s5 =	sld [smem:$0x3FB3]  }
0x2b: {  	s6 =	sld [smem:$0x3FB4]  }
0x2c: {  	s7 =	sld [smem:$0x3FB5]  }
0x2d: {  	s3 =	simm.s32 $0x108;
	s8 =	sld [smem:$0x3FB6]  }
0x2e: {  	s3 =	simm.s32 @!p0 $0x1082;
	s9 =	sld [smem:$0x3FB7]  }
0x2f: {  	lr =	sadd.s32 s0, s3;
	s0 =	sld [smem:$0x3FAE]  }
0x30: {  	s3 =	sld [smem:$0x3FB1]  }
0x31: {  	[smem:$0x3FBA] =	sst s10  }
0x32: {  	s10 =	sld [smem:$0x3FB8];
	_ =	sdelay $0x3  }
0x33: {  	p0 =	seq.s32 s10, $0x1;
	s10 =	sld [smem:$0x3FBA];
	_ =	sdelay $0x3  }
0x34: {  	[smem:$0x3FBA] =	sst s10  }
0x35: {  	s10 =	sld [smem:$0x3FB9];
	_ =	sdelay $0x3  }
0x36: {  	p1 =	seq.s32 s10, $0x1;
	s10 =	sld [smem:$0x3FBA];
	_ =	sdelay $0x3  }
0x37: {  	[smem:$0x3FBA] =	sst s10  }
0x38: {  	s10 =	sld [smem:$0x3FBB]  }
0x39: {  	_ = 	snop;
	(pc) =	sbr.ind lr, $3  }
0x3a: {  	_ = 	snop  }
0x3b: {  	_ = 	snop  }
0x3c: {  	p2 =	seq.s32 s10, $0x1;
	s10 =	sld [smem:$0x3FBA]  }
0x3d: {  	_ =	shalt  }
0x3e: {  	_ =	shalt  }
0x3f: {  	_ =	shalt  }
0x40: {  	_ =	shalt  }
0x41: {  	_ =	shalt  }
0x42: {  	_ =	shalt  }
0x43: {  	_ =	shalt  }
0x44: {  	_ =	shalt  }
0x45: {  	_ =	shalt  }
0x46: {  	_ =	shalt  }
0x47: {  	_ =	shalt  }
0x48: {  	_ =	shalt  }
0x49: {  	_ =	shalt  }
0x4a: {  	_ =	shalt  }
0x4b: {  	_ =	shalt  }
0x4c: {  	_ =	shalt  }
0x4d: {  	_ =	shalt  }
0x4e: {  	_ =	shalt  }
0x4f: {  	_ =	shalt  }
0x50: {  	_ =	shalt  }
0x51: {  	_ =	shalt  }
0x52: {  	_ =	shalt  }
0x53: {  	_ =	shalt  }
0x54: {  	_ =	shalt  }
0x55: {  	_ =	shalt  }
0x56: {  	_ =	shalt  }
0x57: {  	_ =	shalt  }
0x58: {  	_ =	shalt  }
0x59: {  	_ =	shalt  }
0x5a: {  	_ =	shalt  }
0x5b: {  	_ =	shalt  }
0x5c: {  	_ =	shalt  }
0x5d: {  	_ =	shalt  }
0x5e: {  	_ =	shalt  }
0x5f: {  	_ =	shalt  }
0x60: {  	_ =	shalt  }
0x61: {  	_ =	shalt  }
0x62: {  	_ =	shalt  }
0x63: {  	_ =	shalt  }
0x64: {  	_ =	shalt  }
0x65: {  	_ =	shalt  }
0x66: {  	_ =	shalt  }
0x67: {  	_ =	shalt  }
0x68: {  	_ =	shalt  }
0x69: {  	_ =	shalt  }
0x6a: {  	_ =	shalt  }
0x6b: {  	_ =	shalt  }
0x6c: {  	_ =	shalt  }
0x6d: {  	_ =	shalt  }
0x6e: {  	_ =	shalt  }
0x6f: {  	_ =	shalt  }
0x70: {  	_ =	shalt  }
0x71: {  	_ =	shalt  }
0x72: {  	_ =	shalt  }
0x73: {  	_ =	shalt  }
0x74: {  	_ =	shalt  }
0x75: {  	_ =	shalt  }
0x76: {  	_ =	shalt  }
0x77: {  	_ =	shalt  }
0x78: {  	_ =	shalt  }
0x79: {  	_ =	shalt  }
0x7a: {  	_ =	shalt  }
0x7b: {  	_ =	shalt  }
0x7c: {  	_ =	shalt  }
0x7d: {  	_ =	shalt  }
0x7e: {  	_ =	shalt  }
0x7f: {  	_ =	shalt  }
0x80: {  	_ =	shalt  }
0x81: {  	_ =	shalt  }
0x82: {  	_ =	shalt  }
0x83: {  	_ =	shalt  }
0x84: {  	_ =	shalt  }
0x85: {  	_ =	shalt  }
0x86: {  	_ =	shalt  }
0x87: {  	_ =	shalt  }
.Lfunc_end0:
.L_simem_size_0:
called_computation_lowered:
.L_overlay_start_0:
0x88: {  	s2 =	sld [smem:$0x3FD9]  }
0x89: {  	s3 =	sld [smem:$0x3FFE];
	_ =	sdelay $0x1  }
0x8a: {  	s1 =	srdreg.scid  }
0x8b: {  	s0 =	sand.u32 $0x1, s1  }
0x8c: {  	s14 =	sshll.u32 s0, $0xA;
	s2 =	sadd.s32 s3, s2  }
0x8d: {  	s2 =	sadd.s32 s2, s14  }
0x8e: {  	[smem:$0x3FC6] =	sst s2  }
0x8f: {  	_ = 	snop  }
0x90: {  	s2 =	sld [smem:$0x3FD0];
	_ =	sdelay $0x2  }
0x91: {  	s15 =	simm.s32 $0xA;
	s4 =	simm.s32 $0x10  }
0x92: {  	[smem:s4], [sflag:s15] =	dma.local [hbm:s2], $0x1  }
0x93: {  	_ =	swait.eq [sflag:s15], $0x1  }
0x94: {  	[sflag:s15] =	ssyncset.done $0x0  }
0x95: {  	[sflag:s15] =	ssyncadd.s32 $0xFFFFFFFF  }
0x96: {  	s16 =	sld [smem:$0x10];
	(tm) =	ssettm $0x1  }
0x97: {  	s17 =	sld [smem:$0x3FFB];
	_ =	sdelay $0x3  }
0x98: {  	_ =	strace s17  }
0x99: {  	s3 =	sld [smem:$0x3FFC];
	_ =	sdelay $0x3  }
0x9a: {  	_ =	strace s3  }
0x9b: {  	s3 =	sld [smem:$0x3FFD];
	_ =	sdelay $0x3  }
0x9c: {  	_ =	strace s3  }
0x9d: {  	_ =	strace $0x8FFFFFFF  }
0x9e: {  	s18 =	sld [smem:$0x3FDB];
	_ =	sdelay $0x1  }
0x9f: {  	s19 =	simm.s32 $_scs_section_size  }
0xa0: {  	s5 =	simm.s32 $_size__tile_overlayer_lowered;
	s6 =	simm.s32 $_tile_overlayer_lowered  }
0xa1: {  	s22 =	simm.s32 $0x1BFF;
	s21 =	sshll.u32 s6, $0x1;
	s3 =	sadd.s32 s19, s18  }
0xa2: {  	s7 =	simm.s32 $0x0;
	s20 =	sshll.u32 s5, $0x1;
	s5 =	sadd.s32 s21, s3  }
0xa3: {  	[timem:s7], [sflag:s22] =	dma.local [hbm:s5], s20  }
0xa4: {  	_ =	swait.ge [sflag:s22], s20  }
0xa5: {  	s4 =	ssub.s32 $0x0, s20;
	[sflag:s22] =	ssyncset.done $0x0  }
0xa6: {  	[sflag:s22] =	ssyncadd.s32 s4;
	_ =	sdelay $0x1  }
0xa7: {  	s23 =	simm.s32 $0x1B8B  }
0xa8: {  	_ =	swait.ge [sflag:s23], $0x1  }
0xa9: {  	[sflag:s23] =	ssyncset.done $0x0  }
0xaa: {  	s25 =	simm.s32 $0x1B8E;
	s24 =	sld [smem:$0x3FFE];
	[sflag:s23] =	ssyncadd.s32 $0xFFFFFFFF  }
0xab: {  	s26 =	simm.s32 $execute0_lowered;
	[smem:$0x3FD2] =	sst s25  }
0xac: {  	s5 =	sshll.u32 s26, $0x1;
	_ =	strace $0x80000046;
	[dreg:$0x1] =	wrdreg $0xFFFFFFFF  }
0xad: {  	s28 =	simm.s32 $_size_execute0_lowered;
	s3 =	sadd.s32 s3, s5;
	[dreg:$0x0] =	wrdreg $0x0  }
0xae: {  	s5 =	sshll.u32 s28, $0x1;
	[dreg:$0x2] =	wrdreg s3  }
0xaf: {  	[dreg:$0x3] =	wrdreg s5  }
0xb0: {  	[dreg:$0x4] =	wrdreg $0xC0  }
0xb1: {  	_ =	task [dreg:s7], $0x5FFFF  }
0xb2: {  	[dreg:$0x1] =	wrdreg $0xFFFFFFFF  }
0xb3: {  	[dreg:$0x0] =	wrdreg $0x60  }
0xb4: {  	[dreg:$0x2] =	wrdreg s24  }
0xb5: {  	[dreg:$0x3] =	wrdreg s16  }
0xb6: {  	[dreg:$0x4] =	wrdreg $0x9  }
0xb7: {  	_ =	task.clear_ibuf [dreg:s7], $0x5FFFF;
	_ =	strace $0x90000046  }
0xb8: {  	s29 =	simm.s32 $0x9;
	_ =	strace $0x80000048  }
0xb9: {  	_ =	swait.ge [sflag:s29], $0x1  }
0xba: {  	[sflag:s29] =	ssyncadd.s32 $0xFFFFFFFF  }
0xbb: {  	_ =	strace $0x90000048  }
0xbc: {  	_ =	sfence  }
0xbd: {  	s30 =	sld [smem:$0x0];
	_ =	sdelay $0x2  }
0xbe: {  	s31 =	sshll.u32 s1, $0xD;
	s1 =	sshrl.u32 s1, $0x2  }
0xbf: {  	s3 =	sand.u32 $0x4000, s31;
	s1 =	sadd.s32 s1, s30  }
0xc0: {  	s0 =	sor.u32 s3, s0;
	s1 =	sshll.u32 s1, $0x11  }
0xc1: {  	s0 =	sor.u32 s1, s0  }
0xc2: {  	s0 =	sadd.s32 $0x8F2B, s0  }
0xc3: {  	[sflag:s0] =	ssyncadd.remote.s32 $0x1  }
0xc4: {  	_ =	sfence.sel $0xFFFF  }
0xc5: {  	[dreg:$0x0] =	wrdreg $0xFFFFFFFF;
	(pc) =	sbr.abs _section_cstart, $3  }
0xc6: {  	[dreg:$0x1] =	wrdreg $0xFFFFFFFF  }
0xc7: {  	_ =	task.clear_ibuf [dreg:s7], $0x2FFFF;
	_ =	strace $0x9FFFFFFF  }
0xc8: {  	(tm) =	ssettm $0x7FFFFFFF  }
0xc9: {  	_ =	shalt  }
tec
execute0_lowered:
.L_overlay_start_1:
0x0: {  	(tag) =	ssettag $0x1  }
0x1: {  	s1 =	srdreg.scid;
	s0 =	stileid.u32  }
0x2: {  	s5 =	rddreg [dreg:$0x0];
	s21 =	sand.u32 $0x1, s1;
	s31 =	sshll.u32 s0, $0x1  }
0x3: {  	s9 =	rddreg [dreg:$0x1];
	s10 =	sor.u32 s21, s31  }
0x4: {  	s2 =	simm.s32 $0x0;
	s1 =	rddreg [dreg:$0x2];
	s3 =	sshll.u32 s10, $0x7  }
0x5: {  	[smem:$0x7FF] =	sst s2;
	s3 =	sadd.s32 s3, s5  }
0x6: {  	_ =	strace $0x80000047;
	s4 =	sadd.s32 $0x200, s3;
	s3 =	simm.s32 $0x2  }
0x7: {  	[tilespmem:s2], [sflag:$0x2] =	stream.linear.gather [hbm4b:s4+s2], $0x400, $0x38;
	[tilespmem:$0x2400] =	vst v63  }
0x8: {  	_ =	swait.ge [sflag:s3], $0x400  }
0x9: {  	s6 =	simm.s32 $0x80;
	s7 =	simm.s32 $0x400;
	[sflag:s3] =	ssyncset.done $0x0  }
0xa: {  	s8 =	simm.s32 $0x1;
	s5 =	sadd.s32 $0x80200, s5;
	[sflag:s3] =	ssyncadd.s32 $0xFFFFFC00  }
0xb: {  	[tilespmem:s7], [sflag:$0x1] =	stream.indirect.gather [hbm4b:s5+s6], $0x40, s2, s6, $0xb8;
	[tilespmem:$0x2400] =	vst v63  }
0xc: {  	_ =	swait.ge [sflag:s8], $0x2000  }
0xd: {  	s10 =	sshll.u32 s10, $0xD;
	[sflag:s8] =	ssyncset.done $0x0  }
0xe: {  	s9 =	sadd.s32 s9, s10;
	[sflag:s8] =	ssyncadd.s32 $0xFFFFE000  }
0xf: {  	[hbm4b:s9+s2] =	stream.linear.scatter [tilespmem:s7], [sflag:$0x2], $0x2000, $0x38;
	[tilespmem:$0x2400] =	vst v63  }
0x10: {  	_ =	swait.ge [sflag:s3], $0x2000  }
0x11: {  	[sflag:s3] =	ssyncset.done $0x0  }
0x12: {  	[sflag:s3] =	ssyncadd.s32 $0xFFFFE000  }
0x13: {  	[tilespmem:s7], [sflag:$0x1] =	stream.indirect.gather [hbm4b:s5+s6], $0x40, s6, s6, $0xb8;
	[tilespmem:$0x2400] =	vst v63  }
0x14: {  	_ =	swait.ge [sflag:s8], $0x2000  }
0x15: {  	[sflag:s8] =	ssyncset.done $0x0  }
0x16: {  	s10 =	sadd.s32 $0x400, s9;
	[sflag:s8] =	ssyncadd.s32 $0xFFFFE000  }
0x17: {  	[hbm4b:s10+s2] =	stream.linear.scatter [tilespmem:s7], [sflag:$0x2], $0x2000, $0x38;
	[tilespmem:$0x2400] =	vst v63  }
0x18: {  	_ =	swait.ge [sflag:s3], $0x2000  }
0x19: {  	[sflag:s3] =	ssyncset.done $0x0  }
0x1a: {  	s11 =	simm.s32 $0x100;
	[sflag:s3] =	ssyncadd.s32 $0xFFFFE000  }
0x1b: {  	[tilespmem:s7], [sflag:$0x1] =	stream.indirect.gather [hbm4b:s5+s6], $0x40, s11, s6, $0xb8;
	[tilespmem:$0x2400] =	vst v63  }
0x1c: {  	_ =	swait.ge [sflag:s8], $0x2000  }
0x1d: {  	[sflag:s8] =	ssyncset.done $0x0  }
0x1e: {  	s12 =	sadd.s32 $0x800, s9;
	[sflag:s8] =	ssyncadd.s32 $0xFFFFE000  }
0x1f: {  	[hbm4b:s12+s2] =	stream.linear.scatter [tilespmem:s7], [sflag:$0x2], $0x2000, $0x38;
	[tilespmem:$0x2400] =	vst v63  }
0x20: {  	_ =	swait.ge [sflag:s3], $0x2000  }
0x21: {  	[sflag:s3] =	ssyncset.done $0x0  }
0x22: {  	s13 =	simm.s32 $0x180;
	[sflag:s3] =	ssyncadd.s32 $0xFFFFE000  }
0x23: {  	[tilespmem:s7], [sflag:$0x1] =	stream.indirect.gather [hbm4b:s5+s6], $0x40, s13, s6, $0xb8;
	[tilespmem:$0x2400] =	vst v63  }
0x24: {  	_ =	swait.ge [sflag:s8], $0x2000  }
0x25: {  	[sflag:s8] =	ssyncset.done $0x0  }
0x26: {  	s14 =	sadd.s32 $0xC00, s9;
	[sflag:s8] =	ssyncadd.s32 $0xFFFFE000  }
0x27: {  	[hbm4b:s14+s2] =	stream.linear.scatter [tilespmem:s7], [sflag:$0x2], $0x2000, $0x38;
	[tilespmem:$0x2400] =	vst v63  }
0x28: {  	_ =	swait.ge [sflag:s3], $0x2000  }
0x29: {  	[sflag:s3] =	ssyncset.done $0x0  }
0x2a: {  	s15 =	simm.s32 $0x200;
	[sflag:s3] =	ssyncadd.s32 $0xFFFFE000  }
0x2b: {  	[tilespmem:s7], [sflag:$0x1] =	stream.indirect.gather [hbm4b:s5+s6], $0x40, s15, s6, $0xb8;
	[tilespmem:$0x2400] =	vst v63  }
0x2c: {  	_ =	swait.ge [sflag:s8], $0x2000  }
0x2d: {  	[sflag:s8] =	ssyncset.done $0x0  }
0x2e: {  	s16 =	sadd.s32 $0x1000, s9;
	[sflag:s8] =	ssyncadd.s32 $0xFFFFE000  }
0x2f: {  	[hbm4b:s16+s2] =	stream.linear.scatter [tilespmem:s7], [sflag:$0x2], $0x2000, $0x38;
	[tilespmem:$0x2400] =	vst v63  }
0x30: {  	_ =	swait.ge [sflag:s3], $0x2000  }
0x31: {  	[sflag:s3] =	ssyncset.done $0x0  }
0x32: {  	s17 =	simm.s32 $0x280;
	[sflag:s3] =	ssyncadd.s32 $0xFFFFE000  }
0x33: {  	[tilespmem:s7], [sflag:$0x1] =	stream.indirect.gather [hbm4b:s5+s6], $0x40, s17, s6, $0xb8;
	[tilespmem:$0x2400] =	vst v63  }
0x34: {  	_ =	swait.ge [sflag:s8], $0x2000  }
0x35: {  	[sflag:s8] =	ssyncset.done $0x0  }
0x36: {  	s18 =	sadd.s32 $0x1400, s9;
	[sflag:s8] =	ssyncadd.s32 $0xFFFFE000  }
0x37: {  	[hbm4b:s18+s2] =	stream.linear.scatter [tilespmem:s7], [sflag:$0x2], $0x2000, $0x38;
	[tilespmem:$0x2400] =	vst v63  }
0x38: {  	_ =	swait.ge [sflag:s3], $0x2000  }
0x39: {  	[sflag:s3] =	ssyncset.done $0x0  }
0x3a: {  	s19 =	simm.s32 $0x300;
	[sflag:s3] =	ssyncadd.s32 $0xFFFFE000  }
0x3b: {  	[tilespmem:s7], [sflag:$0x1] =	stream.indirect.gather [hbm4b:s5+s6], $0x40, s19, s6, $0xb8;
	[tilespmem:$0x2400] =	vst v63  }
0x3c: {  	_ =	swait.ge [sflag:s8], $0x2000  }
0x3d: {  	[sflag:s8] =	ssyncset.done $0x0  }
0x3e: {  	s22 =	ssub.s32 $0x2, s21;
	s20 =	sadd.s32 $0x1800, s9;
	[sflag:s8] =	ssyncadd.s32 $0xFFFFE000  }
0x3f: {  	[hbm4b:s20+s2] =	stream.linear.scatter [tilespmem:s7], [sflag:$0x2], $0x2000, $0x38;
	[tilespmem:$0x2400] =	vst v63  }
0x40: {  	s23 =	sshrl.u32 s22, $0x1;
	_ =	swait.ge [sflag:s3], $0x2000  }
0x41: {  	s23 =	ssub.s32 s22, s23;
	[sflag:s3] =	ssyncset.done $0x0  }
0x42: {  	s21 =	simm.s32 $0x380;
	s23 =	smax.u32 s23, $0x1;
	[sflag:s3] =	ssyncadd.s32 $0xFFFFE000  }
0x43: {  	[tilespmem:s7], [sflag:$0x1] =	stream.indirect.gather [hbm4b:s5+s6], $0x40, s21, s6, $0xb8;
	[tilespmem:$0x2400] =	vst v63  }
0x44: {  	p0 =	sne.s32 s23, $0x1;
	_ =	swait.ge [sflag:s8], $0x2000  }
.Ltmp0:
0x45: {  	[sflag:s8] =	ssyncset.done $0x0;
	(pc) =	sbr.rel @!p0 .LBB2_2-.Ltmp0, $4  }
0x46: {  	s22 =	sadd.s32 $0x1C00, s9;
	[sflag:s8] =	ssyncadd.s32 $0xFFFFE000  }
0x47: {  	[hbm4b:s22+s2] =	stream.linear.scatter [tilespmem:s7], [sflag:$0x2], $0x2000, $0x38;
	[tilespmem:$0x2400] =	vst v63  }
0x48: {  	_ =	swait.ge [sflag:s3], $0x2000  }
0x49: {  	s23 =	sadd.s32 $0xFFFFFFFF, s23;
	[sflag:s3] =	ssyncset.done $0x0  }
.LBB2_1:
0x4a: {  	p0 =	sne.s32 s23, $0x1;
	s23 =	sadd.s32 $0xFFFFFFFF, s23;
	[sflag:s3] =	ssyncadd.s32 $0xFFFFE000  }
0x4b: {  	[tilespmem:s2], [sflag:$0x2] =	stream.linear.gather [hbm4b:s4+s2], $0x400, $0x38;
	[tilespmem:$0x2400] =	vst v63  }
0x4c: {  	_ =	swait.ge [sflag:s3], $0x400  }
0x4d: {  	[sflag:s3] =	ssyncset.done $0x0  }
0x4e: {  	[sflag:s3] =	ssyncadd.s32 $0xFFFFFC00  }
0x4f: {  	[tilespmem:s7], [sflag:$0x1] =	stream.indirect.gather [hbm4b:s5+s6], $0x40, s2, s6, $0xb8;
	[tilespmem:$0x2400] =	vst v63  }
0x50: {  	_ =	swait.ge [sflag:s8], $0x2000  }
0x51: {  	[sflag:s8] =	ssyncset.done $0x0  }
0x52: {  	[sflag:s8] =	ssyncadd.s32 $0xFFFFE000  }
0x53: {  	[hbm4b:s9+s2] =	stream.linear.scatter [tilespmem:s7], [sflag:$0x2], $0x2000, $0x38;
	[tilespmem:$0x2400] =	vst v63  }
0x54: {  	_ =	swait.ge [sflag:s3], $0x2000  }
0x55: {  	[sflag:s3] =	ssyncset.done $0x0  }
0x56: {  	[sflag:s3] =	ssyncadd.s32 $0xFFFFE000  }
0x57: {  	[tilespmem:s7], [sflag:$0x1] =	stream.indirect.gather [hbm4b:s5+s6], $0x40, s6, s6, $0xb8;
	[tilespmem:$0x2400] =	vst v63  }
0x58: {  	_ =	swait.ge [sflag:s8], $0x2000  }
0x59: {  	[sflag:s8] =	ssyncset.done $0x0  }
0x5a: {  	[sflag:s8] =	ssyncadd.s32 $0xFFFFE000  }
0x5b: {  	[hbm4b:s10+s2] =	stream.linear.scatter [tilespmem:s7], [sflag:$0x2], $0x2000, $0x38;
	[tilespmem:$0x2400] =	vst v63  }
0x5c: {  	_ =	swait.ge [sflag:s3], $0x2000  }
0x5d: {  	[sflag:s3] =	ssyncset.done $0x0  }
0x5e: {  	[sflag:s3] =	ssyncadd.s32 $0xFFFFE000  }
0x5f: {  	[tilespmem:s7], [sflag:$0x1] =	stream.indirect.gather [hbm4b:s5+s6], $0x40, s11, s6, $0xb8;
	[tilespmem:$0x2400] =	vst v63  }
0x60: {  	_ =	swait.ge [sflag:s8], $0x2000  }
0x61: {  	[sflag:s8] =	ssyncset.done $0x0  }
0x62: {  	[sflag:s8] =	ssyncadd.s32 $0xFFFFE000  }
0x63: {  	[hbm4b:s12+s2] =	stream.linear.scatter [tilespmem:s7], [sflag:$0x2], $0x2000, $0x38;
	[tilespmem:$0x2400] =	vst v63  }
0x64: {  	_ =	swait.ge [sflag:s3], $0x2000  }
0x65: {  	[sflag:s3] =	ssyncset.done $0x0  }
0x66: {  	[sflag:s3] =	ssyncadd.s32 $0xFFFFE000  }
0x67: {  	[tilespmem:s7], [sflag:$0x1] =	stream.indirect.gather [hbm4b:s5+s6], $0x40, s13, s6, $0xb8;
	[tilespmem:$0x2400] =	vst v63  }
0x68: {  	_ =	swait.ge [sflag:s8], $0x2000  }
0x69: {  	[sflag:s8] =	ssyncset.done $0x0  }
0x6a: {  	[sflag:s8] =	ssyncadd.s32 $0xFFFFE000  }
0x6b: {  	[hbm4b:s14+s2] =	stream.linear.scatter [tilespmem:s7], [sflag:$0x2], $0x2000, $0x38;
	[tilespmem:$0x2400] =	vst v63  }
0x6c: {  	_ =	swait.ge [sflag:s3], $0x2000  }
0x6d: {  	[sflag:s3] =	ssyncset.done $0x0  }
0x6e: {  	[sflag:s3] =	ssyncadd.s32 $0xFFFFE000  }
0x6f: {  	[tilespmem:s7], [sflag:$0x1] =	stream.indirect.gather [hbm4b:s5+s6], $0x40, s15, s6, $0xb8;
	[tilespmem:$0x2400] =	vst v63  }
0x70: {  	_ =	swait.ge [sflag:s8], $0x2000  }
0x71: {  	[sflag:s8] =	ssyncset.done $0x0  }
0x72: {  	[sflag:s8] =	ssyncadd.s32 $0xFFFFE000  }
0x73: {  	[hbm4b:s16+s2] =	stream.linear.scatter [tilespmem:s7], [sflag:$0x2], $0x2000, $0x38;
	[tilespmem:$0x2400] =	vst v63  }
0x74: {  	_ =	swait.ge [sflag:s3], $0x2000  }
0x75: {  	[sflag:s3] =	ssyncset.done $0x0  }
0x76: {  	[sflag:s3] =	ssyncadd.s32 $0xFFFFE000  }
0x77: {  	[tilespmem:s7], [sflag:$0x1] =	stream.indirect.gather [hbm4b:s5+s6], $0x40, s17, s6, $0xb8;
	[tilespmem:$0x2400] =	vst v63  }
0x78: {  	_ =	swait.ge [sflag:s8], $0x2000  }
0x79: {  	[sflag:s8] =	ssyncset.done $0x0  }
0x7a: {  	[sflag:s8] =	ssyncadd.s32 $0xFFFFE000  }
0x7b: {  	[hbm4b:s18+s2] =	stream.linear.scatter [tilespmem:s7], [sflag:$0x2], $0x2000, $0x38;
	[tilespmem:$0x2400] =	vst v63  }
0x7c: {  	_ =	swait.ge [sflag:s3], $0x2000  }
0x7d: {  	[sflag:s3] =	ssyncset.done $0x0  }
0x7e: {  	[sflag:s3] =	ssyncadd.s32 $0xFFFFE000  }
0x7f: {  	[tilespmem:s7], [sflag:$0x1] =	stream.indirect.gather [hbm4b:s5+s6], $0x40, s19, s6, $0xb8;
	[tilespmem:$0x2400] =	vst v63  }
0x80: {  	_ =	swait.ge [sflag:s8], $0x2000  }
0x81: {  	[sflag:s8] =	ssyncset.done $0x0  }
0x82: {  	[sflag:s8] =	ssyncadd.s32 $0xFFFFE000  }
0x83: {  	[hbm4b:s20+s2] =	stream.linear.scatter [tilespmem:s7], [sflag:$0x2], $0x2000, $0x38;
	[tilespmem:$0x2400] =	vst v63  }
0x84: {  	_ =	swait.ge [sflag:s3], $0x2000  }
0x85: {  	[sflag:s3] =	ssyncset.done $0x0  }
0x86: {  	[sflag:s3] =	ssyncadd.s32 $0xFFFFE000  }
0x87: {  	[tilespmem:s7], [sflag:$0x1] =	stream.indirect.gather [hbm4b:s5+s6], $0x40, s21, s6, $0xb8;
	[tilespmem:$0x2400] =	vst v63  }
0x88: {  	_ =	swait.ge [sflag:s8], $0x2000  }
.Ltmp1:
0x89: {  	[sflag:s8] =	ssyncset.done $0x0;
	(pc) =	sbr.rel @p0 .LBB2_1-.Ltmp1, $4  }
0x8a: {  	[sflag:s8] =	ssyncadd.s32 $0xFFFFE000  }
0x8b: {  	[hbm4b:s22+s2] =	stream.linear.scatter [tilespmem:s7], [sflag:$0x2], $0x2000, $0x38;
	[tilespmem:$0x2400] =	vst v63  }
0x8c: {  	_ =	swait.ge [sflag:s3], $0x2000  }
0x8d: {  	[sflag:s3] =	ssyncset.done $0x0  }
.LBB2_2:
0x8e: {  	[sflag:s3] =	ssyncadd.s32 $0xFFFFE000  }
0x8f: {  	_ =	sfence.sel $0x180000  }
0x90: {  	[bflag:$0x0] =	sbarrier.arrive $0xFFFF  }
0x91: {  	p0 =	sne.s32 s0, $0x0;
	_ =	strace $0x90000047  }
0x92: {  	s0 =	sadd.s32 @!p0 $0x100000, s1;
	[bflag:$0x2] =	sbarrier.arrive $0xFFFF  }
0x93: {  	[sflag:s0] =	ssyncadd.tile.s32 @!p0 $0x1;
	_ =	shalt  }
.Lfunc_end2:
_tile_overlayer_lowered:
.L_overlay_start_2:
0x94: {  	(tag) =	ssettag $0x2  }
0x95: {  	s0 =	rddreg [dreg:$0x0];
	s2 =	stileid.u32  }
0x96: {  	s1 =	rddreg [dreg:$0x1];
	p0 =	sne.s32 s2, $0x0  }
0x97: {  	s3 =	rddreg [dreg:$0x2];
	[bflag:$0x3] =	sbarrier.arrive $0xFFFF;
	s2 =	simm.s32 @!p0 $0x1C02  }
0x98: {  	[timem:s3], [sflag:s2] =	dma.local @!p0 [hbm:s0], s1  }
0x99: {  	s0 =	simm.s32 @!p0 $0x2  }
0x9a: {  	_ =	swait.ge @!p0 [sflag:s0], s1  }
0x9b: {  	s1 =	ssub.s32 @!p0 $0x0, s1;
	[sflag:s0] =	ssyncset.done @!p0 $0x0  }
0x9c: {  	[sflag:s0] =	ssyncadd.s32 @!p0 s1  }
0x9d: {  	[bflag:$0x3] =	sbarrier.arrive $0xFFFF  }
0x9e: {  	_ =	shalt  }

</sc_bundles>
